<compile_context>
chip_gen: v7x
topology: tpu7x:2x2x1
jax: 0.10.2.dev20260603
libtpu: 0.0.44.dev20260713+nightly
codegen_flags: <defaults>
</compile_context>

<pallas_src>
import functools

import jax
import jax.numpy as jnp
from jax.experimental import pallas as pl
from jax.experimental.pallas import tpu as pltpu

_TAU = 0.1
_TAU_INV = 10.0
_K_HULL = 8192
_BIG_I32 = 2**30


def _lane_shift(x, s):
    r = x.shape[0]
    return jnp.concatenate([jnp.zeros((r, s), x.dtype), x[:, :-s]], axis=1)


def _row_shift(x, s):
    c = x.shape[1]
    return jnp.concatenate([jnp.zeros((s, c), x.dtype), x[:-s, :]], axis=0)


def _hull_slope_parts(k0, u0, k1, u1):
    dk = jnp.maximum(jnp.float32(k1 - k0), 1.0)
    return _TAU_INV * (u1 - u0) / dk - 0.5 * jnp.float32(k0 + k1 + 1)


def _pav_body(u_ref, out_ref, ks_ref, us_ref, sz_ref, urun_ref, carry_ref,
              seg_ref, bvec_ref, *, n, rows, n_chunks):
    phase = pl.program_id(0)
    c = pl.program_id(1)
    ch = rows * 128
    u = u_ref[...]
    lane = jax.lax.broadcasted_iota(jnp.int32, (rows, 128), 1)
    row = jax.lax.broadcasted_iota(jnp.int32, (rows, 128), 0)
    lidx = row * 128 + lane

    def push(kn, un):
        sz0 = sz_ref[0]
        k1 = ks_ref[jnp.maximum(sz0 - 1, 0)]
        u1 = us_ref[jnp.maximum(sz0 - 1, 0)]
        k0 = ks_ref[jnp.maximum(sz0 - 2, 0)]
        u0 = us_ref[jnp.maximum(sz0 - 2, 0)]

        def cond(st):
            sz, k0_, u0_, k1_, u1_ = st
            s01 = _hull_slope_parts(k0_, u0_, k1_, u1_)
            s1n = _hull_slope_parts(k1_, u1_, kn, un)
            return (sz >= 2) & (s01 >= s1n)

        def body(st):
            sz, k0_, u0_, k1_, u1_ = st
            sz = sz - 1
            nk0 = ks_ref[jnp.maximum(sz - 2, 0)]
            nu0 = us_ref[jnp.maximum(sz - 2, 0)]
            return (sz, nk0, nu0, k0_, u0_)

        sz, _, _, _, _ = jax.lax.while_loop(cond, body, (sz0, k0, u0, k1, u1))
        w = jnp.minimum(sz, _K_HULL - 1)
        ks_ref[w] = kn
        us_ref[w] = un
        sz_ref[0] = jnp.minimum(sz + 1, jnp.int32(_K_HULL))

    @pl.when(phase == 0)
    def _phase0():
        @pl.when(c == 0)
        def _init():
            sz_ref[0] = jnp.int32(1)
            ks_ref[0] = jnp.int32(0)
            us_ref[0] = jnp.float32(0.0)
            urun_ref[0] = jnp.float32(0.0)
            carry_ref[0] = jnp.float32(jnp.inf)

        carry = carry_ref[0]
        last_col = u[:, 127:128]
        prev_col0 = jnp.concatenate(
            [jnp.full((1, 1), carry, u.dtype), last_col[:-1, :]], axis=0)
        shifted = _lane_shift(u, 1)
        prev = jnp.where(lane == 0, prev_col0, shifted)
        flag = (u - prev) > _TAU
        cnt = jnp.sum(flag.astype(jnp.int32))

        cl = u
        s = 1
        while s < 128:
            cl = cl + _lane_shift(cl, s)
            s *= 2
        rowtot = jnp.sum(u, axis=1, keepdims=True)
        rp = rowtot
        s = 1
        while s < rows:
            rp = rp + _row_shift(rp, s)
            s *= 2
        excl = (rp - rowtot) + (cl - u)
        urun = urun_ref[0]

        def extract_body(_, t_prev):
            t = jnp.min(jnp.where(flag & (lidx > t_prev), lidx, _BIG_I32))
            uc = urun + jnp.sum(jnp.where(lidx == t, excl, 0.0))
            push(c * ch + t, uc)
            return t

        jax.lax.fori_loop(0, cnt, extract_body, jnp.int32(-1))
        urun_ref[0] = urun + jnp.sum(u)
        carry_ref[0] = jnp.sum(
            jnp.where((row == rows - 1) & (lane == 127), u, 0.0))

        @pl.when(c == n_chunks - 1)
        def _finish():
            push(jnp.int32(n), urun_ref[0])
            seg_ref[0] = jnp.int32(0)

    @pl.when(phase == 1)
    def _phase1():
        cs = c * ch
        ce = cs + ch

        def adv_cond(st):
            _, knext = st
            return knext <= cs

        def adv_body(st):
            seg, _ = st
            seg = seg + 1
            return seg, ks_ref[seg + 1]

        seg0, _ = jax.lax.while_loop(
            adv_cond, adv_body, (seg_ref[0], ks_ref[seg_ref[0] + 1]))

        def slope(j):
            return _hull_slope_parts(ks_ref[j], us_ref[j],
                                     ks_ref[j + 1], us_ref[j + 1])

        bvec_ref[...] = jnp.full((rows, 128), slope(seg0), jnp.float32)
        gidx = lidx + cs

        def fill_cond(st):
            _, knext = st
            return knext < ce

        def fill_body(st):
            seg, _ = st
            seg = seg + 1
            bvec_ref[...] = jnp.where(gidx >= ks_ref[seg], slope(seg),
                                      bvec_ref[...])
            return seg, ks_ref[seg + 1]

        segf, _ = jax.lax.while_loop(
            fill_cond, fill_body, (seg0, ks_ref[seg0 + 1]))
        seg_ref[0] = segf
        out_ref[...] = _TAU_INV * u - bvec_ref[...]


def _soft_ranks_sorted(u, rows=64, interpret=False):
    n = u.shape[0]
    ch = rows * 128
    n_chunks = n // ch
    u2 = u.reshape(n // 128, 128)
    out = pl.pallas_call(
        functools.partial(_pav_body, n=n, rows=rows, n_chunks=n_chunks),
        grid=(2, n_chunks),
        in_specs=[pl.BlockSpec((rows, 128), lambda p, c: (c, 0))],
        out_specs=pl.BlockSpec((rows, 128), lambda p, c: (c, 0)),
        out_shape=jax.ShapeDtypeStruct((n // 128, 128), jnp.float32),
        scratch_shapes=[
            pltpu.SMEM((_K_HULL,), jnp.int32),
            pltpu.SMEM((_K_HULL,), jnp.float32),
            pltpu.SMEM((1,), jnp.int32),
            pltpu.SMEM((1,), jnp.float32),
            pltpu.SMEM((1,), jnp.float32),
            pltpu.SMEM((1,), jnp.int32),
            pltpu.VMEM((rows, 128), jnp.float32),
        ],
        compiler_params=pltpu.CompilerParams(
            dimension_semantics=("arbitrary", "arbitrary")),
        interpret=interpret,
    )(u2)
    return out.reshape(n)


def _loss_body(yp_ref, yt_ref, rr_ref, out_ref, accm_ref, accd_ref, carry_ref,
               *, n, rows, n_chunks):
    c = pl.program_id(0)
    ch = rows * 128

    @pl.when(c == 0)
    def _init():
        accm_ref[0] = jnp.float32(0.0)
        accd_ref[0] = jnp.float32(0.0)
        carry_ref[0] = jnp.float32(0.0)

    yp = yp_ref[...]
    yt = yt_ref[...]
    rr = rr_ref[...]
    d = yp - yt
    accm_ref[0] = accm_ref[0] + jnp.sum(d * d)

    lane = jax.lax.broadcasted_iota(jnp.int32, (rows, 128), 1)
    row = jax.lax.broadcasted_iota(jnp.int32, (rows, 128), 0)
    lidx = row * 128 + lane
    carry = carry_ref[0]
    last_col = rr[:, 127:128]
    prev_col0 = jnp.concatenate(
        [jnp.full((1, 1), carry, rr.dtype), last_col[:-1, :]], axis=0)
    prev = jnp.where(lane == 0, prev_col0, _lane_shift(rr, 1))
    mask = (lidx + c * ch) > 0
    accd_ref[0] = accd_ref[0] + jnp.sum(
        jnp.where(mask, jnp.abs(rr - prev), 0.0))
    carry_ref[0] = jnp.sum(
        jnp.where((row == rows - 1) & (lane == 127), rr, 0.0))

    @pl.when(c == n_chunks - 1)
    def _finish():
        denom = jnp.float32(float(n) * float(n) - 1.0)
        xi = 1.0 - 3.0 * accd_ref[0] / denom
        out_ref[0] = accm_ref[0] / jnp.float32(n) - xi
        out_ref[1] = xi


def _loss_combine(y_pred, y_true, rr, rows=64, interpret=False):
    n = y_pred.shape[0]
    ch = rows * 128
    n_chunks = n // ch
    shp = (n // 128, 128)
    out = pl.pallas_call(
        functools.partial(_loss_body, n=n, rows=rows, n_chunks=n_chunks),
        grid=(n_chunks,),
        in_specs=[pl.BlockSpec((rows, 128), lambda c: (c, 0))] * 3,
        out_specs=pl.BlockSpec(memory_space=pltpu.SMEM),
        out_shape=jax.ShapeDtypeStruct((2,), jnp.float32),
        scratch_shapes=[
            pltpu.SMEM((1,), jnp.float32),
            pltpu.SMEM((1,), jnp.float32),
            pltpu.SMEM((1,), jnp.float32),
        ],
        compiler_params=pltpu.CompilerParams(
            dimension_semantics=("arbitrary",)),
        interpret=interpret,
    )(y_pred.reshape(shp), y_true.reshape(shp), rr.reshape(shp))
    return out


def kernel(y_pred, y_true):
    y_pred = y_pred.reshape(-1)
    y_true = y_true.reshape(-1)
    n = y_pred.shape[0]
    idx = jnp.arange(n, dtype=jnp.int32)
    u, perm_pred = jax.lax.sort_key_val(y_pred, idx)
    r_sorted = _soft_ranks_sorted(u)
    r_orig = jnp.zeros((n,), jnp.float32).at[perm_pred].set(
        r_sorted, unique_indices=True)
    _, perm_true = jax.lax.sort_key_val(y_true, idx)
    rr = jnp.take(r_orig, perm_true, unique_indices=True)
    out2 = _loss_combine(y_pred, y_true, rr)
    return (out2[0], out2[1])

# --- scband reference (transcript-rebuilt; emitter-appended) ---
"""Pipeline reference for scband-xi-loss-90606630076637 (READ-ONLY COPY).

The authoritative reference and input builder live on the scoring server;
editing this copy changes nothing except your own understanding.
"""

import jax, jax.numpy as jnp
import numpy as np

TAU = 0.1
LAMBDA = 1.0
N = 1048576


def _pav_nondecreasing(y):
    # Pool-adjacent-violators for non-decreasing isotonic regression (stack based).
    n = y.shape[0]
    means0 = jnp.zeros(n, dtype=y.dtype)
    counts0 = jnp.zeros(n, dtype=jnp.int32)

    def body(i, state):
        means, counts, top = state
        means = means.at[top].set(y[i])
        counts = counts.at[top].set(1)
        top = top + 1

        def cond(st):
            m, c, t = st
            return jnp.logical_and(t > 1, m[t - 2] >= m[t - 1])

        def merge(st):
            m, c, t = st
            ctot = c[t - 2] + c[t - 1]
            mtot = (m[t - 2] * c[t - 2] + m[t - 1] * c[t - 1]) / ctot
            m = m.at[t - 2].set(mtot)
            c = c.at[t - 2].set(ctot)
            return (m, c, t - 1)

        means, counts, top = jax.lax.while_loop(cond, merge, (means, counts, top))
        return (means, counts, top)

    means, counts, top = jax.lax.fori_loop(0, n, body, (means0, counts0, jnp.int32(0)))
    counts = jnp.where(jnp.arange(n) < top, counts, 0)
    ends = jnp.cumsum(counts)
    idx = jnp.searchsorted(ends, jnp.arange(n), side='right')
    return means[idx]


def _isotonic_l2(y):
    # min 0.5||y - v||^2 s.t. v non-increasing
    return -_pav_nondecreasing(-y)


def _soft_rank_l2(x, tau):
    # torchsort.soft_rank with l2 regularization (Blondel et al. fast soft ranking)
    n = x.shape[0]
    theta = x / tau
    w = jnp.arange(n, 0, -1, dtype=theta.dtype)
    perm = jnp.argsort(-theta)  # descending
    s = theta[perm]
    dual = _isotonic_l2(s - w)
    primal = s - dual
    inv = jnp.argsort(perm)
    return primal[inv]


def setup_inputs(seed: int = 0) -> dict:
    key = jax.random.key(seed)
    k1, k2 = jax.random.split(key)
    y_pred = jax.random.normal(k1, (N,), dtype=jnp.float32)
    y_true = jax.random.normal(k2, (N,), dtype=jnp.float32)
    return {"y_pred": y_pred, "y_true": y_true}


def reference(y_pred, y_true):
    y_pred = y_pred.reshape(-1)
    y_true = y_true.reshape(-1)
    n = y_true.shape[0]
    perm = jnp.argsort(y_true)
    y_pred_ord = y_pred[perm]
    ranks = _soft_rank_l2(y_pred_ord, TAU)
    diffs = jnp.abs(ranks[1:] - ranks[:-1]).sum()
    xi_soft = 1.0 - 3.0 * diffs / (n ** 2 - 1)
    task = jnp.mean((y_pred - y_true) ** 2)  # nn.MSELoss default
    total = task - LAMBDA * xi_soft
    return (total, xi_soft)

if __name__ == "__main__":
    import jax
    _d = setup_inputs()
    print(jax.jit(kernel)(*tuple(_d.values())))

</pallas_src>

<mosaic_0001>
module attributes {stable_mosaic.version = 14 : i64} {
  func.func @_pav_body(%arg0: i32, %arg1: i32, %arg2: memref<64x128xf32, #tpu.memory_space<vmem>>, %arg3: memref<64x128xf32, #tpu.memory_space<vmem>>, %arg4: memref<8192xi32, #tpu.memory_space<smem>>, %arg5: memref<8192xf32, #tpu.memory_space<smem>>, %arg6: memref<1xi32, #tpu.memory_space<smem>>, %arg7: memref<1xf32, #tpu.memory_space<smem>>, %arg8: memref<1xf32, #tpu.memory_space<smem>>, %arg9: memref<1xi32, #tpu.memory_space<smem>>, %arg10: memref<64x128xf32, #tpu.memory_space<vmem>>) attributes {dimension_semantics = [#tpu.dimension_semantics<arbitrary>, #tpu.dimension_semantics<arbitrary>], iteration_bounds = array<i64: 2, 128>, scalar_prefetch = 0 : i64, scratch_operands = 7 : i64, tpu.core_type = #tpu.core_type<tc>, window_params = [{transform_indices = @transform_0, window_bounds = array<i64: 64, 128>}, {transform_indices = @transform_1, window_bounds = array<i64: 64, 128>}]} {
    %get3A = arith.constant 0 : index
    %get3A_0 = arith.constant 0 : index
    %get3A_1 = vector.load %arg2[%get3A, %get3A_0] : memref<64x128xf32, #tpu.memory_space<vmem>>, vector<64x128xf32>
    %iota3A = tpu.iota {dimensions = array<i32: 1>} : vector<64x128xi32>
    %iota3A_2 = tpu.iota {dimensions = array<i32: 0>} : vector<64x128xi32>
    %mul3A = arith.constant 128 : i32
    %mul3A_3 = vector.broadcast %mul3A : i32 to vector<64x128xi32>
    %mul3A_4 = arith.muli %iota3A_2, %mul3A_3 : vector<64x128xi32>
    %add3A = arith.addi %mul3A_4, %iota3A : vector<64x128xi32>
    %eq3A = arith.constant 0 : i32
    %eq3A_5 = arith.cmpi eq, %arg0, %eq3A : i32
    %convert_element_type3A = arith.extui %eq3A_5 : i1 to i32
    %cond3A = arith.constant 0 : i32
    %cond3A_6 = arith.cmpi ne, %convert_element_type3A, %cond3A : i32
    scf.if %cond3A_6 {
      %eq3A_12 = arith.constant 0 : i32
      %eq3A_13 = arith.cmpi eq, %arg1, %eq3A_12 : i32
      %convert_element_type3A_14 = arith.extui %eq3A_13 : i1 to i32
      %cond3A_15 = arith.constant 0 : i32
      %cond3A_16 = arith.cmpi ne, %convert_element_type3A_14, %cond3A_15 : i32
      scf.if %cond3A_16 {
        %swap3A_148 = arith.constant 1 : i32
        %swap3A_149 = arith.constant 0 : index
        %swap3A_150 = memref.load %arg6[%swap3A_149] : memref<1xi32, #tpu.memory_space<smem>>
        memref.store %swap3A_148, %arg6[%swap3A_149] : memref<1xi32, #tpu.memory_space<smem>>
        %swap3A_151 = arith.constant 0 : i32
        %swap3A_152 = arith.constant 0 : index
        %swap3A_153 = memref.load %arg4[%swap3A_152] : memref<8192xi32, #tpu.memory_space<smem>>
        memref.store %swap3A_151, %arg4[%swap3A_152] : memref<8192xi32, #tpu.memory_space<smem>>
        %swap3A_154 = arith.constant 0.000000e+00 : f32
        %swap3A_155 = arith.constant 0 : index
        %swap3A_156 = memref.load %arg5[%swap3A_155] : memref<8192xf32, #tpu.memory_space<smem>>
        memref.store %swap3A_154, %arg5[%swap3A_155] : memref<8192xf32, #tpu.memory_space<smem>>
        %swap3A_157 = arith.constant 0.000000e+00 : f32
        %swap3A_158 = arith.constant 0 : index
        %swap3A_159 = memref.load %arg7[%swap3A_158] : memref<1xf32, #tpu.memory_space<smem>>
        memref.store %swap3A_157, %arg7[%swap3A_158] : memref<1xf32, #tpu.memory_space<smem>>
        %swap3A_160 = arith.constant 0x7F800000 : f32
        %swap3A_161 = arith.constant 0 : index
        %swap3A_162 = memref.load %arg8[%swap3A_161] : memref<1xf32, #tpu.memory_space<smem>>
        memref.store %swap3A_160, %arg8[%swap3A_161] : memref<1xf32, #tpu.memory_space<smem>>
      } else {
      }
      %get3A_17 = arith.constant 0 : index
      %get3A_18 = memref.load %arg8[%get3A_17] : memref<1xf32, #tpu.memory_space<smem>>
      %slice3A = vector.extract_strided_slice %get3A_1 {offsets = [0, 127], sizes = [64, 1], strides = [1, 1]} : vector<64x128xf32> to vector<64x1xf32>
      %broadcast_in_dim3A = vector.broadcast %get3A_18 : f32 to vector<1x1xf32>
      %slice3A_19 = vector.extract_strided_slice %slice3A {offsets = [0, 0], sizes = [63, 1], strides = [1, 1]} : vector<64x1xf32> to vector<63x1xf32>
      %concatenate3A = tpu.concatenate %broadcast_in_dim3A, %slice3A_19 in 0 : vector<1x1xf32>, vector<63x1xf32> -> vector<64x1xf32>
      %broadcast_in_dim3A_20 = arith.constant 0.000000e+00 : f32
      %broadcast_in_dim3A_21 = vector.broadcast %broadcast_in_dim3A_20 : f32 to vector<64x1xf32>
      %slice3A_22 = vector.extract_strided_slice %get3A_1 {offsets = [0, 0], sizes = [64, 127], strides = [1, 1]} : vector<64x128xf32> to vector<64x127xf32>
      %concatenate3A_23 = tpu.concatenate %broadcast_in_dim3A_21, %slice3A_22 in 1 : vector<64x1xf32>, vector<64x127xf32> -> vector<64x128xf32>
      %eq3A_24 = arith.constant 0 : i32
      %eq3A_25 = vector.broadcast %eq3A_24 : i32 to vector<64x128xi32>
      %eq3A_26 = arith.cmpi eq, %iota3A, %eq3A_25 : vector<64x128xi32>
      %broadcast_in_dim3A_27 = vector.shape_cast %concatenate3A : vector<64x1xf32> to vector<64x1xf32>
      %broadcast_in_dim3A_28 = vector.broadcast %broadcast_in_dim3A_27 : vector<64x1xf32> to vector<64x128xf32>
      %select_n3A = arith.select %eq3A_26, %broadcast_in_dim3A_28, %concatenate3A_23 : vector<64x128xi1>, vector<64x128xf32>
      %sub3A = arith.subf %get3A_1, %select_n3A : vector<64x128xf32>
      %gt3A = arith.constant 1.000000e-01 : f32
      %gt3A_29 = vector.broadcast %gt3A : f32 to vector<64x128xf32>
      %gt3A_30 = arith.cmpf ogt, %sub3A, %gt3A_29 : vector<64x128xf32>
      %convert_element_type3A_31 = arith.extui %gt3A_30 : vector<64x128xi1> to vector<64x128xi32>
      %reduce_sum3A = vector.shape_cast %convert_element_type3A_31 : vector<64x128xi32> to vector<1x64x128xi32>
      %reduce_sum3A_32 = arith.constant dense<0> : vector<1xi32>
      %reduce_sum3A_33 = vector.multi_reduction <add>, %reduce_sum3A, %reduce_sum3A_32 [1, 2] : vector<1x64x128xi32> to vector<1xi32>
      %reduce_sum3A_34 = vector.shape_cast %reduce_sum3A_33 : vector<1xi32> to vector<1x1x1xi32>
      %reduce_sum3A_35 = vector.extract %reduce_sum3A_34[0, 0, 0] : i32 from vector<1x1x1xi32>
      %broadcast_in_dim3A_36 = arith.constant 0.000000e+00 : f32
      %broadcast_in_dim3A_37 = vector.broadcast %broadcast_in_dim3A_36 : f32 to vector<64x1xf32>
      %slice3A_38 = vector.extract_strided_slice %get3A_1 {offsets = [0, 0], sizes = [64, 127], strides = [1, 1]} : vector<64x128xf32> to vector<64x127xf32>
      %concatenate3A_39 = tpu.concatenate %broadcast_in_dim3A_37, %slice3A_38 in 1 : vector<64x1xf32>, vector<64x127xf32> -> vector<64x128xf32>
      %add3A_40 = arith.addf %get3A_1, %concatenate3A_39 : vector<64x128xf32>
      %broadcast_in_dim3A_41 = arith.constant 0.000000e+00 : f32
      %broadcast_in_dim3A_42 = vector.broadcast %broadcast_in_dim3A_41 : f32 to vector<64x2xf32>
      %slice3A_43 = vector.extract_strided_slice %add3A_40 {offsets = [0, 0], sizes = [64, 126], strides = [1, 1]} : vector<64x128xf32> to vector<64x126xf32>
      %concatenate3A_44 = tpu.concatenate %broadcast_in_dim3A_42, %slice3A_43 in 1 : vector<64x2xf32>, vector<64x126xf32> -> vector<64x128xf32>
      %add3A_45 = arith.addf %add3A_40, %concatenate3A_44 : vector<64x128xf32>
      %broadcast_in_dim3A_46 = arith.constant 0.000000e+00 : f32
      %broadcast_in_dim3A_47 = vector.broadcast %broadcast_in_dim3A_46 : f32 to vector<64x4xf32>
      %slice3A_48 = vector.extract_strided_slice %add3A_45 {offsets = [0, 0], sizes = [64, 124], strides = [1, 1]} : vector<64x128xf32> to vector<64x124xf32>
      %concatenate3A_49 = tpu.concatenate %broadcast_in_dim3A_47, %slice3A_48 in 1 : vector<64x4xf32>, vector<64x124xf32> -> vector<64x128xf32>
      %add3A_50 = arith.addf %add3A_45, %concatenate3A_49 : vector<64x128xf32>
      %broadcast_in_dim3A_51 = arith.constant 0.000000e+00 : f32
      %broadcast_in_dim3A_52 = vector.broadcast %broadcast_in_dim3A_51 : f32 to vector<64x8xf32>
      %slice3A_53 = vector.extract_strided_slice %add3A_50 {offsets = [0, 0], sizes = [64, 120], strides = [1, 1]} : vector<64x128xf32> to vector<64x120xf32>
      %concatenate3A_54 = tpu.concatenate %broadcast_in_dim3A_52, %slice3A_53 in 1 : vector<64x8xf32>, vector<64x120xf32> -> vector<64x128xf32>
      %add3A_55 = arith.addf %add3A_50, %concatenate3A_54 : vector<64x128xf32>
      %broadcast_in_dim3A_56 = arith.constant 0.000000e+00 : f32
      %broadcast_in_dim3A_57 = vector.broadcast %broadcast_in_dim3A_56 : f32 to vector<64x16xf32>
      %slice3A_58 = vector.extract_strided_slice %add3A_55 {offsets = [0, 0], sizes = [64, 112], strides = [1, 1]} : vector<64x128xf32> to vector<64x112xf32>
      %concatenate3A_59 = tpu.concatenate %broadcast_in_dim3A_57, %slice3A_58 in 1 : vector<64x16xf32>, vector<64x112xf32> -> vector<64x128xf32>
      %add3A_60 = arith.addf %add3A_55, %concatenate3A_59 : vector<64x128xf32>
      %broadcast_in_dim3A_61 = arith.constant 0.000000e+00 : f32
      %broadcast_in_dim3A_62 = vector.broadcast %broadcast_in_dim3A_61 : f32 to vector<64x32xf32>
      %slice3A_63 = vector.extract_strided_slice %add3A_60 {offsets = [0, 0], sizes = [64, 96], strides = [1, 1]} : vector<64x128xf32> to vector<64x96xf32>
      %concatenate3A_64 = tpu.concatenate %broadcast_in_dim3A_62, %slice3A_63 in 1 : vector<64x32xf32>, vector<64x96xf32> -> vector<64x128xf32>
      %add3A_65 = arith.addf %add3A_60, %concatenate3A_64 : vector<64x128xf32>
      %broadcast_in_dim3A_66 = arith.constant 0.000000e+00 : f32
      %broadcast_in_dim3A_67 = vector.broadcast %broadcast_in_dim3A_66 : f32 to vector<64x64xf32>
      %slice3A_68 = vector.extract_strided_slice %add3A_65 {offsets = [0, 0], sizes = [64, 64], strides = [1, 1]} : vector<64x128xf32> to vector<64x64xf32>
      %concatenate3A_69 = tpu.concatenate %broadcast_in_dim3A_67, %slice3A_68 in 1 : vector<64x64xf32>, vector<64x64xf32> -> vector<64x128xf32>
      %add3A_70 = arith.addf %add3A_65, %concatenate3A_69 : vector<64x128xf32>
      %reduce_sum3A_71 = arith.constant dense<0.000000e+00> : vector<64xf32>
      %reduce_sum3A_72 = vector.multi_reduction <add>, %get3A_1, %reduce_sum3A_71 [1] : vector<64x128xf32> to vector<64xf32>
      %broadcast_in_dim3A_73 = vector.shape_cast %reduce_sum3A_72 : vector<64xf32> to vector<64x1xf32>
      %broadcast_in_dim3A_74 = arith.constant 0.000000e+00 : f32
      %broadcast_in_dim3A_75 = vector.broadcast %broadcast_in_dim3A_74 : f32 to vector<1x1xf32>
      %slice3A_76 = vector.extract_strided_slice %broadcast_in_dim3A_73 {offsets = [0, 0], sizes = [63, 1], strides = [1, 1]} : vector<64x1xf32> to vector<63x1xf32>
      %concatenate3A_77 = tpu.concatenate %broadcast_in_dim3A_75, %slice3A_76 in 0 : vector<1x1xf32>, vector<63x1xf32> -> vector<64x1xf32>
      %add3A_78 = arith.addf %broadcast_in_dim3A_73, %concatenate3A_77 : vector<64x1xf32>
      %broadcast_in_dim3A_79 = arith.constant 0.000000e+00 : f32
      %broadcast_in_dim3A_80 = vector.broadcast %broadcast_in_dim3A_79 : f32 to vector<2x1xf32>
      %slice3A_81 = vector.extract_strided_slice %add3A_78 {offsets = [0, 0], sizes = [62, 1], strides = [1, 1]} : vector<64x1xf32> to vector<62x1xf32>
      %concatenate3A_82 = tpu.concatenate %broadcast_in_dim3A_80, %slice3A_81 in 0 : vector<2x1xf32>, vector<62x1xf32> -> vector<64x1xf32>
      %add3A_83 = arith.addf %add3A_78, %concatenate3A_82 : vector<64x1xf32>
      %broadcast_in_dim3A_84 = arith.constant 0.000000e+00 : f32
      %broadcast_in_dim3A_85 = vector.broadcast %broadcast_in_dim3A_84 : f32 to vector<4x1xf32>
      %slice3A_86 = vector.extract_strided_slice %add3A_83 {offsets = [0, 0], sizes = [60, 1], strides = [1, 1]} : vector<64x1xf32> to vector<60x1xf32>
      %concatenate3A_87 = tpu.concatenate %broadcast_in_dim3A_85, %slice3A_86 in 0 : vector<4x1xf32>, vector<60x1xf32> -> vector<64x1xf32>
      %add3A_88 = arith.addf %add3A_83, %concatenate3A_87 : vector<64x1xf32>
      %broadcast_in_dim3A_89 = arith.constant 0.000000e+00 : f32
      %broadcast_in_dim3A_90 = vector.broadcast %broadcast_in_dim3A_89 : f32 to vector<8x1xf32>
      %slice3A_91 = vector.extract_strided_slice %add3A_88 {offsets = [0, 0], sizes = [56, 1], strides = [1, 1]} : vector<64x1xf32> to vector<56x1xf32>
      %concatenate3A_92 = tpu.concatenate %broadcast_in_dim3A_90, %slice3A_91 in 0 : vector<8x1xf32>, vector<56x1xf32> -> vector<64x1xf32>
      %add3A_93 = arith.addf %add3A_88, %concatenate3A_92 : vector<64x1xf32>
      %broadcast_in_dim3A_94 = arith.constant 0.000000e+00 : f32
      %broadcast_in_dim3A_95 = vector.broadcast %broadcast_in_dim3A_94 : f32 to vector<16x1xf32>
      %slice3A_96 = vector.extract_strided_slice %add3A_93 {offsets = [0, 0], sizes = [48, 1], strides = [1, 1]} : vector<64x1xf32> to vector<48x1xf32>
      %concatenate3A_97 = tpu.concatenate %broadcast_in_dim3A_95, %slice3A_96 in 0 : vector<16x1xf32>, vector<48x1xf32> -> vector<64x1xf32>
      %add3A_98 = arith.addf %add3A_93, %concatenate3A_97 : vector<64x1xf32>
      %broadcast_in_dim3A_99 = arith.constant 0.000000e+00 : f32
      %broadcast_in_dim3A_100 = vector.broadcast %broadcast_in_dim3A_99 : f32 to vector<32x1xf32>
      %slice3A_101 = vector.extract_strided_slice %add3A_98 {offsets = [0, 0], sizes = [32, 1], strides = [1, 1]} : vector<64x1xf32> to vector<32x1xf32>
      %concatenate3A_102 = tpu.concatenate %broadcast_in_dim3A_100, %slice3A_101 in 0 : vector<32x1xf32>, vector<32x1xf32> -> vector<64x1xf32>
      %add3A_103 = arith.addf %add3A_98, %concatenate3A_102 : vector<64x1xf32>
      %sub3A_104 = arith.subf %add3A_103, %broadcast_in_dim3A_73 : vector<64x1xf32>
      %sub3A_105 = arith.subf %add3A_70, %get3A_1 : vector<64x128xf32>
      %add3A_106 = vector.broadcast %sub3A_104 : vector<64x1xf32> to vector<64x128xf32>
      %add3A_107 = arith.addf %add3A_106, %sub3A_105 : vector<64x128xf32>
      %get3A_108 = arith.constant 0 : index
      %get3A_109 = memref.load %arg7[%get3A_108] : memref<1xf32, #tpu.memory_space<smem>>
      %while3A = arith.constant 0 : i32
      %while3A_110 = arith.constant -1 : i32
      %while3A_111 = arith.subi %reduce_sum3A_35, %while3A : i32
      %while3A_112 = arith.addi %while3A, %while3A_111 : i32
      %while3A_113 = arith.constant 1 : i32
      %while3A_114 = arith.divsi %while3A_111, %while3A_113 : i32
      %while3A_115 = arith.muli %while3A_114, %while3A_113 : i32
      %while3A_116 = arith.addi %while3A, %while3A_115 : i32
      %while3A_117 = arith.constant 1 : i32
      %while3A_118 = scf.for %while3A_148 = %while3A to %while3A_116 step %while3A_117 iter_args(%while3A_149 = %while3A_110) -> (i32)  : i32 {
        %gt3A_150 = vector.broadcast %while3A_149 : i32 to vector<64x128xi32>
        %gt3A_151 = arith.cmpi sgt, %add3A, %gt3A_150 : vector<64x128xi32>
        %and3A_152 = arith.andi %gt3A_30, %gt3A_151 : vector<64x128xi1>
        %jit3A_153 = arith.constant 1073741824 : i32
        %broadcast_in_dim3A_154 = vector.broadcast %jit3A_153 : i32 to vector<64x128xi32>
        %select_n3A_155 = arith.select %and3A_152, %add3A, %broadcast_in_dim3A_154 : vector<64x128xi1>, vector<64x128xi32>
        %reduce_min3A = vector.shape_cast %select_n3A_155 : vector<64x128xi32> to vector<1x64x128xi32>
        %reduce_min3A_156 = arith.constant dense<2147483647> : vector<1xi32>
        %reduce_min3A_157 = vector.multi_reduction <minsi>, %reduce_min3A, %reduce_min3A_156 [1, 2] : vector<1x64x128xi32> to vector<1xi32>
        %reduce_min3A_158 = vector.shape_cast %reduce_min3A_157 : vector<1xi32> to vector<1x1x1xi32>
        %reduce_min3A_159 = vector.extract %reduce_min3A_158[0, 0, 0] : i32 from vector<1x1x1xi32>
        %eq3A_160 = vector.broadcast %reduce_min3A_159 : i32 to vector<64x128xi32>
        %eq3A_161 = arith.cmpi eq, %add3A, %eq3A_160 : vector<64x128xi32>
        %jit3A_162 = arith.constant 0.000000e+00 : f32
        %broadcast_in_dim3A_163 = vector.broadcast %jit3A_162 : f32 to vector<64x128xf32>
        %select_n3A_164 = arith.select %eq3A_161, %add3A_107, %broadcast_in_dim3A_163 : vector<64x128xi1>, vector<64x128xf32>
        %reduce_sum3A_165 = vector.shape_cast %select_n3A_164 : vector<64x128xf32> to vector<1x64x128xf32>
        %reduce_sum3A_166 = arith.constant dense<0.000000e+00> : vector<1xf32>
        %reduce_sum3A_167 = vector.multi_reduction <add>, %reduce_sum3A_165, %reduce_sum3A_166 [1, 2] : vector<1x64x128xf32> to vector<1xf32>
        %reduce_sum3A_168 = vector.shape_cast %reduce_sum3A_167 : vector<1xf32> to vector<1x1x1xf32>
        %reduce_sum3A_169 = vector.extract %reduce_sum3A_168[0, 0, 0] : f32 from vector<1x1x1xf32>
        %add3A_170 = arith.addf %get3A_109, %reduce_sum3A_169 : f32
        %mul3A_171 = arith.constant 8192 : i32
        %mul3A_172 = arith.muli %arg1, %mul3A_171 : i32
        %add3A_173 = arith.addi %mul3A_172, %reduce_min3A_159 : i32
        %get3A_174 = arith.constant 0 : index
        %get3A_175 = memref.load %arg6[%get3A_174] : memref<1xi32, #tpu.memory_space<smem>>
        %sub3A_176 = arith.constant 1 : i32
        %sub3A_177 = arith.subi %get3A_175, %sub3A_176 : i32
        %max3A = arith.constant 0 : i32
        %max3A_178 = arith.maxsi %sub3A_177, %max3A : i32
        %get3A_179 = arith.index_cast %max3A_178 : i32 to index
        %get3A_180 = memref.load %arg4[%get3A_179] : memref<8192xi32, #tpu.memory_space<smem>>
        %sub3A_181 = arith.constant 1 : i32
        %sub3A_182 = arith.subi %get3A_175, %sub3A_181 : i32
        %max3A_183 = arith.constant 0 : i32
        %max3A_184 = arith.maxsi %sub3A_182, %max3A_183 : i32
        %get3A_185 = arith.index_cast %max3A_184 : i32 to index
        %get3A_186 = memref.load %arg5[%get3A_185] : memref<8192xf32, #tpu.memory_space<smem>>
        %sub3A_187 = arith.constant 2 : i32
        %sub3A_188 = arith.subi %get3A_175, %sub3A_187 : i32
        %max3A_189 = arith.constant 0 : i32
        %max3A_190 = arith.maxsi %sub3A_188, %max3A_189 : i32
        %get3A_191 = arith.index_cast %max3A_190 : i32 to index
        %get3A_192 = memref.load %arg4[%get3A_191] : memref<8192xi32, #tpu.memory_space<smem>>
        %sub3A_193 = arith.constant 2 : i32
        %sub3A_194 = arith.subi %get3A_175, %sub3A_193 : i32
        %max3A_195 = arith.constant 0 : i32
        %max3A_196 = arith.maxsi %sub3A_194, %max3A_195 : i32
        %get3A_197 = arith.index_cast %max3A_196 : i32 to index
        %get3A_198 = memref.load %arg5[%get3A_197] : memref<8192xf32, #tpu.memory_space<smem>>
        %while3A_199:5 = scf.while (%while3A_211 = %get3A_175, %while3A_212 = %get3A_192, %while3A_213 = %get3A_198, %while3A_214 = %get3A_180, %while3A_215 = %get3A_186) : (i32, i32, f32, i32, f32) -> (i32, i32, f32, i32, f32) {
          %sub3A_216 = arith.subi %while3A_214, %while3A_212 : i32
          %convert_element_type3A_217 = arith.sitofp %sub3A_216 : i32 to f32
          %max3A_218 = arith.constant 1.000000e+00 : f32
          %max3A_219 = arith.maximumf %convert_element_type3A_217, %max3A_218 : f32
          %sub3A_220 = arith.subf %while3A_215, %while3A_213 : f32
          %mul3A_221 = arith.constant 1.000000e+01 : f32
          %mul3A_222 = arith.mulf %mul3A_221, %sub3A_220 : f32
          %div3A = arith.divf %mul3A_222, %max3A_219 : f32
          %add3A_223 = arith.addi %while3A_212, %while3A_214 : i32
          %add3A_224 = arith.constant 1 : i32
          %add3A_225 = arith.addi %add3A_223, %add3A_224 : i32
          %convert_element_type3A_226 = arith.sitofp %add3A_225 : i32 to f32
          %mul3A_227 = arith.constant 5.000000e-01 : f32
          %mul3A_228 = arith.mulf %mul3A_227, %convert_element_type3A_226 : f32
          %sub3A_229 = arith.subf %div3A, %mul3A_228 : f32
          %sub3A_230 = arith.subi %add3A_173, %while3A_214 : i32
          %convert_element_type3A_231 = arith.sitofp %sub3A_230 : i32 to f32
          %max3A_232 = arith.constant 1.000000e+00 : f32
          %max3A_233 = arith.maximumf %convert_element_type3A_231, %max3A_232 : f32
          %sub3A_234 = arith.subf %add3A_170, %while3A_215 : f32
          %mul3A_235 = arith.constant 1.000000e+01 : f32
          %mul3A_236 = arith.mulf %mul3A_235, %sub3A_234 : f32
          %div3A_237 = arith.divf %mul3A_236, %max3A_233 : f32
          %add3A_238 = arith.addi %while3A_214, %add3A_173 : i32
          %add3A_239 = arith.constant 1 : i32
          %add3A_240 = arith.addi %add3A_238, %add3A_239 : i32
          %convert_element_type3A_241 = arith.sitofp %add3A_240 : i32 to f32
          %mul3A_242 = arith.constant 5.000000e-01 : f32
          %mul3A_243 = arith.mulf %mul3A_242, %convert_element_type3A_241 : f32
          %sub3A_244 = arith.subf %div3A_237, %mul3A_243 : f32
          %ge3A = arith.constant 2 : i32
          %ge3A_245 = arith.cmpi sge, %while3A_211, %ge3A : i32
          %ge3A_246 = arith.cmpf oge, %sub3A_229, %sub3A_244 : f32
          %and3A_247 = arith.andi %ge3A_245, %ge3A_246 : i1
          scf.condition(%and3A_247) %while3A_211, %while3A_212, %while3A_213, %while3A_214, %while3A_215 : i32, i32, f32, i32, f32
        } do {
        ^bb0(%while3A_211: i32, %while3A_212: i32, %while3A_213: f32, %while3A_214: i32, %while3A_215: f32):
          %sub3A_216 = arith.constant 1 : i32
          %sub3A_217 = arith.subi %while3A_211, %sub3A_216 : i32
          %sub3A_218 = arith.constant 2 : i32
          %sub3A_219 = arith.subi %sub3A_217, %sub3A_218 : i32
          %max3A_220 = arith.constant 0 : i32
          %max3A_221 = arith.maxsi %sub3A_219, %max3A_220 : i32
          %get3A_222 = arith.index_cast %max3A_221 : i32 to index
          %get3A_223 = memref.load %arg4[%get3A_222] : memref<8192xi32, #tpu.memory_space<smem>>
          %sub3A_224 = arith.constant 2 : i32
          %sub3A_225 = arith.subi %sub3A_217, %sub3A_224 : i32
          %max3A_226 = arith.constant 0 : i32
          %max3A_227 = arith.maxsi %sub3A_225, %max3A_226 : i32
          %get3A_228 = arith.index_cast %max3A_227 : i32 to index
          %get3A_229 = memref.load %arg5[%get3A_228] : memref<8192xf32, #tpu.memory_space<smem>>
          scf.yield %sub3A_217, %get3A_223, %get3A_229, %while3A_212, %while3A_213 : i32, i32, f32, i32, f32
        }
        %min3A = arith.constant 8191 : i32
        %min3A_200 = arith.minsi %while3A_199#0, %min3A : i32
        %swap3A_201 = arith.index_cast %min3A_200 : i32 to index
        %swap3A_202 = memref.load %arg4[%swap3A_201] : memref<8192xi32, #tpu.memory_space<smem>>
        memref.store %add3A_173, %arg4[%swap3A_201] : memref<8192xi32, #tpu.memory_space<smem>>
        %swap3A_203 = arith.index_cast %min3A_200 : i32 to index
        %swap3A_204 = memref.load %arg5[%swap3A_203] : memref<8192xf32, #tpu.memory_space<smem>>
        memref.store %add3A_170, %arg5[%swap3A_203] : memref<8192xf32, #tpu.memory_space<smem>>
        %add3A_205 = arith.constant 1 : i32
        %add3A_206 = arith.addi %while3A_199#0, %add3A_205 : i32
        %min3A_207 = arith.constant 8192 : i32
        %min3A_208 = arith.minsi %add3A_206, %min3A_207 : i32
        %swap3A_209 = arith.constant 0 : index
        %swap3A_210 = memref.load %arg6[%swap3A_209] : memref<1xi32, #tpu.memory_space<smem>>
        memref.store %min3A_208, %arg6[%swap3A_209] : memref<1xi32, #tpu.memory_space<smem>>
        scf.yield %reduce_min3A_159 : i32
      }
      %while3A_119 = arith.constant 1 : i32
      %while3A_120 = scf.for %while3A_148 = %while3A_116 to %while3A_112 step %while3A_119 iter_args(%while3A_149 = %while3A_118) -> (i32)  : i32 {
        %gt3A_150 = vector.broadcast %while3A_149 : i32 to vector<64x128xi32>
        %gt3A_151 = arith.cmpi sgt, %add3A, %gt3A_150 : vector<64x128xi32>
        %and3A_152 = arith.andi %gt3A_30, %gt3A_151 : vector<64x128xi1>
        %jit3A_153 = arith.constant 1073741824 : i32
        %broadcast_in_dim3A_154 = vector.broadcast %jit3A_153 : i32 to vector<64x128xi32>
        %select_n3A_155 = arith.select %and3A_152, %add3A, %broadcast_in_dim3A_154 : vector<64x128xi1>, vector<64x128xi32>
        %reduce_min3A = vector.shape_cast %select_n3A_155 : vector<64x128xi32> to vector<1x64x128xi32>
        %reduce_min3A_156 = arith.constant dense<2147483647> : vector<1xi32>
        %reduce_min3A_157 = vector.multi_reduction <minsi>, %reduce_min3A, %reduce_min3A_156 [1, 2] : vector<1x64x128xi32> to vector<1xi32>
        %reduce_min3A_158 = vector.shape_cast %reduce_min3A_157 : vector<1xi32> to vector<1x1x1xi32>
        %reduce_min3A_159 = vector.extract %reduce_min3A_158[0, 0, 0] : i32 from vector<1x1x1xi32>
        %eq3A_160 = vector.broadcast %reduce_min3A_159 : i32 to vector<64x128xi32>
        %eq3A_161 = arith.cmpi eq, %add3A, %eq3A_160 : vector<64x128xi32>
        %jit3A_162 = arith.constant 0.000000e+00 : f32
        %broadcast_in_dim3A_163 = vector.broadcast %jit3A_162 : f32 to vector<64x128xf32>
        %select_n3A_164 = arith.select %eq3A_161, %add3A_107, %broadcast_in_dim3A_163 : vector<64x128xi1>, vector<64x128xf32>
        %reduce_sum3A_165 = vector.shape_cast %select_n3A_164 : vector<64x128xf32> to vector<1x64x128xf32>
        %reduce_sum3A_166 = arith.constant dense<0.000000e+00> : vector<1xf32>
        %reduce_sum3A_167 = vector.multi_reduction <add>, %reduce_sum3A_165, %reduce_sum3A_166 [1, 2] : vector<1x64x128xf32> to vector<1xf32>
        %reduce_sum3A_168 = vector.shape_cast %reduce_sum3A_167 : vector<1xf32> to vector<1x1x1xf32>
        %reduce_sum3A_169 = vector.extract %reduce_sum3A_168[0, 0, 0] : f32 from vector<1x1x1xf32>
        %add3A_170 = arith.addf %get3A_109, %reduce_sum3A_169 : f32
        %mul3A_171 = arith.constant 8192 : i32
        %mul3A_172 = arith.muli %arg1, %mul3A_171 : i32
        %add3A_173 = arith.addi %mul3A_172, %reduce_min3A_159 : i32
        %get3A_174 = arith.constant 0 : index
        %get3A_175 = memref.load %arg6[%get3A_174] : memref<1xi32, #tpu.memory_space<smem>>
        %sub3A_176 = arith.constant 1 : i32
        %sub3A_177 = arith.subi %get3A_175, %sub3A_176 : i32
        %max3A = arith.constant 0 : i32
        %max3A_178 = arith.maxsi %sub3A_177, %max3A : i32
        %get3A_179 = arith.index_cast %max3A_178 : i32 to index
        %get3A_180 = memref.load %arg4[%get3A_179] : memref<8192xi32, #tpu.memory_space<smem>>
        %sub3A_181 = arith.constant 1 : i32
        %sub3A_182 = arith.subi %get3A_175, %sub3A_181 : i32
        %max3A_183 = arith.constant 0 : i32
        %max3A_184 = arith.maxsi %sub3A_182, %max3A_183 : i32
        %get3A_185 = arith.index_cast %max3A_184 : i32 to index
        %get3A_186 = memref.load %arg5[%get3A_185] : memref<8192xf32, #tpu.memory_space<smem>>
        %sub3A_187 = arith.constant 2 : i32
        %sub3A_188 = arith.subi %get3A_175, %sub3A_187 : i32
        %max3A_189 = arith.constant 0 : i32
        %max3A_190 = arith.maxsi %sub3A_188, %max3A_189 : i32
        %get3A_191 = arith.index_cast %max3A_190 : i32 to index
        %get3A_192 = memref.load %arg4[%get3A_191] : memref<8192xi32, #tpu.memory_space<smem>>
        %sub3A_193 = arith.constant 2 : i32
        %sub3A_194 = arith.subi %get3A_175, %sub3A_193 : i32
        %max3A_195 = arith.constant 0 : i32
        %max3A_196 = arith.maxsi %sub3A_194, %max3A_195 : i32
        %get3A_197 = arith.index_cast %max3A_196 : i32 to index
        %get3A_198 = memref.load %arg5[%get3A_197] : memref<8192xf32, #tpu.memory_space<smem>>
        %while3A_199:5 = scf.while (%while3A_211 = %get3A_175, %while3A_212 = %get3A_192, %while3A_213 = %get3A_198, %while3A_214 = %get3A_180, %while3A_215 = %get3A_186) : (i32, i32, f32, i32, f32) -> (i32, i32, f32, i32, f32) {
          %sub3A_216 = arith.subi %while3A_214, %while3A_212 : i32
          %convert_element_type3A_217 = arith.sitofp %sub3A_216 : i32 to f32
          %max3A_218 = arith.constant 1.000000e+00 : f32
          %max3A_219 = arith.maximumf %convert_element_type3A_217, %max3A_218 : f32
          %sub3A_220 = arith.subf %while3A_215, %while3A_213 : f32
          %mul3A_221 = arith.constant 1.000000e+01 : f32
          %mul3A_222 = arith.mulf %mul3A_221, %sub3A_220 : f32
          %div3A = arith.divf %mul3A_222, %max3A_219 : f32
          %add3A_223 = arith.addi %while3A_212, %while3A_214 : i32
          %add3A_224 = arith.constant 1 : i32
          %add3A_225 = arith.addi %add3A_223, %add3A_224 : i32
          %convert_element_type3A_226 = arith.sitofp %add3A_225 : i32 to f32
          %mul3A_227 = arith.constant 5.000000e-01 : f32
          %mul3A_228 = arith.mulf %mul3A_227, %convert_element_type3A_226 : f32
          %sub3A_229 = arith.subf %div3A, %mul3A_228 : f32
          %sub3A_230 = arith.subi %add3A_173, %while3A_214 : i32
          %convert_element_type3A_231 = arith.sitofp %sub3A_230 : i32 to f32
          %max3A_232 = arith.constant 1.000000e+00 : f32
          %max3A_233 = arith.maximumf %convert_element_type3A_231, %max3A_232 : f32
          %sub3A_234 = arith.subf %add3A_170, %while3A_215 : f32
          %mul3A_235 = arith.constant 1.000000e+01 : f32
          %mul3A_236 = arith.mulf %mul3A_235, %sub3A_234 : f32
          %div3A_237 = arith.divf %mul3A_236, %max3A_233 : f32
          %add3A_238 = arith.addi %while3A_214, %add3A_173 : i32
          %add3A_239 = arith.constant 1 : i32
          %add3A_240 = arith.addi %add3A_238, %add3A_239 : i32
          %convert_element_type3A_241 = arith.sitofp %add3A_240 : i32 to f32
          %mul3A_242 = arith.constant 5.000000e-01 : f32
          %mul3A_243 = arith.mulf %mul3A_242, %convert_element_type3A_241 : f32
          %sub3A_244 = arith.subf %div3A_237, %mul3A_243 : f32
          %ge3A = arith.constant 2 : i32
          %ge3A_245 = arith.cmpi sge, %while3A_211, %ge3A : i32
          %ge3A_246 = arith.cmpf oge, %sub3A_229, %sub3A_244 : f32
          %and3A_247 = arith.andi %ge3A_245, %ge3A_246 : i1
          scf.condition(%and3A_247) %while3A_211, %while3A_212, %while3A_213, %while3A_214, %while3A_215 : i32, i32, f32, i32, f32
        } do {
        ^bb0(%while3A_211: i32, %while3A_212: i32, %while3A_213: f32, %while3A_214: i32, %while3A_215: f32):
          %sub3A_216 = arith.constant 1 : i32
          %sub3A_217 = arith.subi %while3A_211, %sub3A_216 : i32
          %sub3A_218 = arith.constant 2 : i32
          %sub3A_219 = arith.subi %sub3A_217, %sub3A_218 : i32
          %max3A_220 = arith.constant 0 : i32
          %max3A_221 = arith.maxsi %sub3A_219, %max3A_220 : i32
          %get3A_222 = arith.index_cast %max3A_221 : i32 to index
          %get3A_223 = memref.load %arg4[%get3A_222] : memref<8192xi32, #tpu.memory_space<smem>>
          %sub3A_224 = arith.constant 2 : i32
          %sub3A_225 = arith.subi %sub3A_217, %sub3A_224 : i32
          %max3A_226 = arith.constant 0 : i32
          %max3A_227 = arith.maxsi %sub3A_225, %max3A_226 : i32
          %get3A_228 = arith.index_cast %max3A_227 : i32 to index
          %get3A_229 = memref.load %arg5[%get3A_228] : memref<8192xf32, #tpu.memory_space<smem>>
          scf.yield %sub3A_217, %get3A_223, %get3A_229, %while3A_212, %while3A_213 : i32, i32, f32, i32, f32
        }
        %min3A = arith.constant 8191 : i32
        %min3A_200 = arith.minsi %while3A_199#0, %min3A : i32
        %swap3A_201 = arith.index_cast %min3A_200 : i32 to index
        %swap3A_202 = memref.load %arg4[%swap3A_201] : memref<8192xi32, #tpu.memory_space<smem>>
        memref.store %add3A_173, %arg4[%swap3A_201] : memref<8192xi32, #tpu.memory_space<smem>>
        %swap3A_203 = arith.index_cast %min3A_200 : i32 to index
        %swap3A_204 = memref.load %arg5[%swap3A_203] : memref<8192xf32, #tpu.memory_space<smem>>
        memref.store %add3A_170, %arg5[%swap3A_203] : memref<8192xf32, #tpu.memory_space<smem>>
        %add3A_205 = arith.constant 1 : i32
        %add3A_206 = arith.addi %while3A_199#0, %add3A_205 : i32
        %min3A_207 = arith.constant 8192 : i32
        %min3A_208 = arith.minsi %add3A_206, %min3A_207 : i32
        %swap3A_209 = arith.constant 0 : index
        %swap3A_210 = memref.load %arg6[%swap3A_209] : memref<1xi32, #tpu.memory_space<smem>>
        memref.store %min3A_208, %arg6[%swap3A_209] : memref<1xi32, #tpu.memory_space<smem>>
        scf.yield %reduce_min3A_159 : i32
      }
      %reduce_sum3A_121 = vector.shape_cast %get3A_1 : vector<64x128xf32> to vector<1x64x128xf32>
      %reduce_sum3A_122 = arith.constant dense<0.000000e+00> : vector<1xf32>
      %reduce_sum3A_123 = vector.multi_reduction <add>, %reduce_sum3A_121, %reduce_sum3A_122 [1, 2] : vector<1x64x128xf32> to vector<1xf32>
      %reduce_sum3A_124 = vector.shape_cast %reduce_sum3A_123 : vector<1xf32> to vector<1x1x1xf32>
      %reduce_sum3A_125 = vector.extract %reduce_sum3A_124[0, 0, 0] : f32 from vector<1x1x1xf32>
      %add3A_126 = arith.addf %get3A_109, %reduce_sum3A_125 : f32
      %swap3A = arith.constant 0 : index
      %swap3A_127 = memref.load %arg7[%swap3A] : memref<1xf32, #tpu.memory_space<smem>>
      memref.store %add3A_126, %arg7[%swap3A] : memref<1xf32, #tpu.memory_space<smem>>
      %eq3A_128 = arith.constant 63 : i32
      %eq3A_129 = vector.broadcast %eq3A_128 : i32 to vector<64x128xi32>
      %eq3A_130 = arith.cmpi eq, %iota3A_2, %eq3A_129 : vector<64x128xi32>
      %eq3A_131 = arith.constant 127 : i32
      %eq3A_132 = vector.broadcast %eq3A_131 : i32 to vector<64x128xi32>
      %eq3A_133 = arith.cmpi eq, %iota3A, %eq3A_132 : vector<64x128xi32>
      %and3A = arith.andi %eq3A_130, %eq3A_133 : vector<64x128xi1>
      %jit3A = arith.constant 0.000000e+00 : f32
      %broadcast_in_dim3A_134 = vector.broadcast %jit3A : f32 to vector<64x128xf32>
      %select_n3A_135 = arith.select %and3A, %get3A_1, %broadcast_in_dim3A_134 : vector<64x128xi1>, vector<64x128xf32>
      %reduce_sum3A_136 = vector.shape_cast %select_n3A_135 : vector<64x128xf32> to vector<1x64x128xf32>
      %reduce_sum3A_137 = arith.constant dense<0.000000e+00> : vector<1xf32>
      %reduce_sum3A_138 = vector.multi_reduction <add>, %reduce_sum3A_136, %reduce_sum3A_137 [1, 2] : vector<1x64x128xf32> to vector<1xf32>
      %reduce_sum3A_139 = vector.shape_cast %reduce_sum3A_138 : vector<1xf32> to vector<1x1x1xf32>
      %reduce_sum3A_140 = vector.extract %reduce_sum3A_139[0, 0, 0] : f32 from vector<1x1x1xf32>
      %swap3A_141 = arith.constant 0 : index
      %swap3A_142 = memref.load %arg8[%swap3A_141] : memref<1xf32, #tpu.memory_space<smem>>
      memref.store %reduce_sum3A_140, %arg8[%swap3A_141] : memref<1xf32, #tpu.memory_space<smem>>
      %eq3A_143 = arith.constant 127 : i32
      %eq3A_144 = arith.cmpi eq, %arg1, %eq3A_143 : i32
      %convert_element_type3A_145 = arith.extui %eq3A_144 : i1 to i32
      %cond3A_146 = arith.constant 0 : i32
      %cond3A_147 = arith.cmpi ne, %convert_element_type3A_145, %cond3A_146 : i32
      scf.if %cond3A_147 {
        %get3A_148 = arith.constant 0 : index
        %get3A_149 = memref.load %arg7[%get3A_148] : memref<1xf32, #tpu.memory_space<smem>>
        %get3A_150 = arith.constant 0 : index
        %get3A_151 = memref.load %arg6[%get3A_150] : memref<1xi32, #tpu.memory_space<smem>>
        %sub3A_152 = arith.constant 1 : i32
        %sub3A_153 = arith.subi %get3A_151, %sub3A_152 : i32
        %max3A = arith.constant 0 : i32
        %max3A_154 = arith.maxsi %sub3A_153, %max3A : i32
        %get3A_155 = arith.index_cast %max3A_154 : i32 to index
        %get3A_156 = memref.load %arg4[%get3A_155] : memref<8192xi32, #tpu.memory_space<smem>>
        %sub3A_157 = arith.constant 1 : i32
        %sub3A_158 = arith.subi %get3A_151, %sub3A_157 : i32
        %max3A_159 = arith.constant 0 : i32
        %max3A_160 = arith.maxsi %sub3A_158, %max3A_159 : i32
        %get3A_161 = arith.index_cast %max3A_160 : i32 to index
        %get3A_162 = memref.load %arg5[%get3A_161] : memref<8192xf32, #tpu.memory_space<smem>>
        %sub3A_163 = arith.constant 2 : i32
        %sub3A_164 = arith.subi %get3A_151, %sub3A_163 : i32
        %max3A_165 = arith.constant 0 : i32
        %max3A_166 = arith.maxsi %sub3A_164, %max3A_165 : i32
        %get3A_167 = arith.index_cast %max3A_166 : i32 to index
        %get3A_168 = memref.load %arg4[%get3A_167] : memref<8192xi32, #tpu.memory_space<smem>>
        %sub3A_169 = arith.constant 2 : i32
        %sub3A_170 = arith.subi %get3A_151, %sub3A_169 : i32
        %max3A_171 = arith.constant 0 : i32
        %max3A_172 = arith.maxsi %sub3A_170, %max3A_171 : i32
        %get3A_173 = arith.index_cast %max3A_172 : i32 to index
        %get3A_174 = memref.load %arg5[%get3A_173] : memref<8192xf32, #tpu.memory_space<smem>>
        %while3A_175 = arith.constant 1048576 : i32
        %while3A_176:5 = scf.while (%while3A_192 = %get3A_151, %while3A_193 = %get3A_168, %while3A_194 = %get3A_174, %while3A_195 = %get3A_156, %while3A_196 = %get3A_162) : (i32, i32, f32, i32, f32) -> (i32, i32, f32, i32, f32) {
          %sub3A_197 = arith.subi %while3A_195, %while3A_193 : i32
          %convert_element_type3A_198 = arith.sitofp %sub3A_197 : i32 to f32
          %max3A_199 = arith.constant 1.000000e+00 : f32
          %max3A_200 = arith.maximumf %convert_element_type3A_198, %max3A_199 : f32
          %sub3A_201 = arith.subf %while3A_196, %while3A_194 : f32
          %mul3A_202 = arith.constant 1.000000e+01 : f32
          %mul3A_203 = arith.mulf %mul3A_202, %sub3A_201 : f32
          %div3A = arith.divf %mul3A_203, %max3A_200 : f32
          %add3A_204 = arith.addi %while3A_193, %while3A_195 : i32
          %add3A_205 = arith.constant 1 : i32
          %add3A_206 = arith.addi %add3A_204, %add3A_205 : i32
          %convert_element_type3A_207 = arith.sitofp %add3A_206 : i32 to f32
          %mul3A_208 = arith.constant 5.000000e-01 : f32
          %mul3A_209 = arith.mulf %mul3A_208, %convert_element_type3A_207 : f32
          %sub3A_210 = arith.subf %div3A, %mul3A_209 : f32
          %sub3A_211 = arith.subi %while3A_175, %while3A_195 : i32
          %convert_element_type3A_212 = arith.sitofp %sub3A_211 : i32 to f32
          %max3A_213 = arith.constant 1.000000e+00 : f32
          %max3A_214 = arith.maximumf %convert_element_type3A_212, %max3A_213 : f32
          %sub3A_215 = arith.subf %get3A_149, %while3A_196 : f32
          %mul3A_216 = arith.constant 1.000000e+01 : f32
          %mul3A_217 = arith.mulf %mul3A_216, %sub3A_215 : f32
          %div3A_218 = arith.divf %mul3A_217, %max3A_214 : f32
          %add3A_219 = arith.addi %while3A_195, %while3A_175 : i32
          %add3A_220 = arith.constant 1 : i32
          %add3A_221 = arith.addi %add3A_219, %add3A_220 : i32
          %convert_element_type3A_222 = arith.sitofp %add3A_221 : i32 to f32
          %mul3A_223 = arith.constant 5.000000e-01 : f32
          %mul3A_224 = arith.mulf %mul3A_223, %convert_element_type3A_222 : f32
          %sub3A_225 = arith.subf %div3A_218, %mul3A_224 : f32
          %ge3A = arith.constant 2 : i32
          %ge3A_226 = arith.cmpi sge, %while3A_192, %ge3A : i32
          %ge3A_227 = arith.cmpf oge, %sub3A_210, %sub3A_225 : f32
          %and3A_228 = arith.andi %ge3A_226, %ge3A_227 : i1
          scf.condition(%and3A_228) %while3A_192, %while3A_193, %while3A_194, %while3A_195, %while3A_196 : i32, i32, f32, i32, f32
        } do {
        ^bb0(%while3A_192: i32, %while3A_193: i32, %while3A_194: f32, %while3A_195: i32, %while3A_196: f32):
          %sub3A_197 = arith.constant 1 : i32
          %sub3A_198 = arith.subi %while3A_192, %sub3A_197 : i32
          %sub3A_199 = arith.constant 2 : i32
          %sub3A_200 = arith.subi %sub3A_198, %sub3A_199 : i32
          %max3A_201 = arith.constant 0 : i32
          %max3A_202 = arith.maxsi %sub3A_200, %max3A_201 : i32
          %get3A_203 = arith.index_cast %max3A_202 : i32 to index
          %get3A_204 = memref.load %arg4[%get3A_203] : memref<8192xi32, #tpu.memory_space<smem>>
          %sub3A_205 = arith.constant 2 : i32
          %sub3A_206 = arith.subi %sub3A_198, %sub3A_205 : i32
          %max3A_207 = arith.constant 0 : i32
          %max3A_208 = arith.maxsi %sub3A_206, %max3A_207 : i32
          %get3A_209 = arith.index_cast %max3A_208 : i32 to index
          %get3A_210 = memref.load %arg5[%get3A_209] : memref<8192xf32, #tpu.memory_space<smem>>
          scf.yield %sub3A_198, %get3A_204, %get3A_210, %while3A_193, %while3A_194 : i32, i32, f32, i32, f32
        }
        %min3A = arith.constant 8191 : i32
        %min3A_177 = arith.minsi %while3A_176#0, %min3A : i32
        %swap3A_178 = arith.constant 1048576 : i32
        %swap3A_179 = arith.index_cast %min3A_177 : i32 to index
        %swap3A_180 = memref.load %arg4[%swap3A_179] : memref<8192xi32, #tpu.memory_space<smem>>
        memref.store %swap3A_178, %arg4[%swap3A_179] : memref<8192xi32, #tpu.memory_space<smem>>
        %swap3A_181 = arith.index_cast %min3A_177 : i32 to index
        %swap3A_182 = memref.load %arg5[%swap3A_181] : memref<8192xf32, #tpu.memory_space<smem>>
        memref.store %get3A_149, %arg5[%swap3A_181] : memref<8192xf32, #tpu.memory_space<smem>>
        %add3A_183 = arith.constant 1 : i32
        %add3A_184 = arith.addi %while3A_176#0, %add3A_183 : i32
        %min3A_185 = arith.constant 8192 : i32
        %min3A_186 = arith.minsi %add3A_184, %min3A_185 : i32
        %swap3A_187 = arith.constant 0 : index
        %swap3A_188 = memref.load %arg6[%swap3A_187] : memref<1xi32, #tpu.memory_space<smem>>
        memref.store %min3A_186, %arg6[%swap3A_187] : memref<1xi32, #tpu.memory_space<smem>>
        %swap3A_189 = arith.constant 0 : i32
        %swap3A_190 = arith.constant 0 : index
        %swap3A_191 = memref.load %arg9[%swap3A_190] : memref<1xi32, #tpu.memory_space<smem>>
        memref.store %swap3A_189, %arg9[%swap3A_190] : memref<1xi32, #tpu.memory_space<smem>>
      } else {
      }
    } else {
    }
    %eq3A_7 = arith.constant 1 : i32
    %eq3A_8 = arith.cmpi eq, %arg0, %eq3A_7 : i32
    %convert_element_type3A_9 = arith.extui %eq3A_8 : i1 to i32
    %cond3A_10 = arith.constant 0 : i32
    %cond3A_11 = arith.cmpi ne, %convert_element_type3A_9, %cond3A_10 : i32
    scf.if %cond3A_11 {
      %mul3A_12 = arith.constant 8192 : i32
      %mul3A_13 = arith.muli %arg1, %mul3A_12 : i32
      %add3A_14 = arith.constant 8192 : i32
      %add3A_15 = arith.addi %mul3A_13, %add3A_14 : i32
      %get3A_16 = arith.constant 0 : index
      %get3A_17 = memref.load %arg9[%get3A_16] : memref<1xi32, #tpu.memory_space<smem>>
      %get3A_18 = arith.constant 0 : index
      %get3A_19 = memref.load %arg9[%get3A_18] : memref<1xi32, #tpu.memory_space<smem>>
      %add3A_20 = arith.constant 1 : i32
      %add3A_21 = arith.addi %get3A_19, %add3A_20 : i32
      %get3A_22 = arith.index_cast %add3A_21 : i32 to index
      %get3A_23 = memref.load %arg4[%get3A_22] : memref<8192xi32, #tpu.memory_space<smem>>
      %while3A:2 = scf.while (%while3A_69 = %get3A_17, %while3A_70 = %get3A_23) : (i32, i32) -> (i32, i32) {
        %le3A = arith.cmpi sle, %while3A_70, %mul3A_13 : i32
        scf.condition(%le3A) %while3A_69, %while3A_70 : i32, i32
      } do {
      ^bb0(%while3A_69: i32, %while3A_70: i32):
        %add3A_71 = arith.constant 1 : i32
        %add3A_72 = arith.addi %while3A_69, %add3A_71 : i32
        %add3A_73 = arith.constant 1 : i32
        %add3A_74 = arith.addi %add3A_72, %add3A_73 : i32
        %get3A_75 = arith.index_cast %add3A_74 : i32 to index
        %get3A_76 = memref.load %arg4[%get3A_75] : memref<8192xi32, #tpu.memory_space<smem>>
        scf.yield %add3A_72, %get3A_76 : i32, i32
      }
      %get3A_24 = arith.index_cast %while3A#0 : i32 to index
      %get3A_25 = memref.load %arg4[%get3A_24] : memref<8192xi32, #tpu.memory_space<smem>>
      %get3A_26 = arith.index_cast %while3A#0 : i32 to index
      %get3A_27 = memref.load %arg5[%get3A_26] : memref<8192xf32, #tpu.memory_space<smem>>
      %add3A_28 = arith.constant 1 : i32
      %add3A_29 = arith.addi %while3A#0, %add3A_28 : i32
      %get3A_30 = arith.index_cast %add3A_29 : i32 to index
      %get3A_31 = memref.load %arg4[%get3A_30] : memref<8192xi32, #tpu.memory_space<smem>>
      %add3A_32 = arith.constant 1 : i32
      %add3A_33 = arith.addi %while3A#0, %add3A_32 : i32
      %get3A_34 = arith.index_cast %add3A_33 : i32 to index
      %get3A_35 = memref.load %arg5[%get3A_34] : memref<8192xf32, #tpu.memory_space<smem>>
      %sub3A = arith.subi %get3A_31, %get3A_25 : i32
      %convert_element_type3A_36 = arith.sitofp %sub3A : i32 to f32
      %max3A = arith.constant 1.000000e+00 : f32
      %max3A_37 = arith.maximumf %convert_element_type3A_36, %max3A : f32
      %sub3A_38 = arith.subf %get3A_35, %get3A_27 : f32
      %mul3A_39 = arith.constant 1.000000e+01 : f32
      %mul3A_40 = arith.mulf %mul3A_39, %sub3A_38 : f32
      %div3A = arith.divf %mul3A_40, %max3A_37 : f32
      %add3A_41 = arith.addi %get3A_25, %get3A_31 : i32
      %add3A_42 = arith.constant 1 : i32
      %add3A_43 = arith.addi %add3A_41, %add3A_42 : i32
      %convert_element_type3A_44 = arith.sitofp %add3A_43 : i32 to f32
      %mul3A_45 = arith.constant 5.000000e-01 : f32
      %mul3A_46 = arith.mulf %mul3A_45, %convert_element_type3A_44 : f32
      %sub3A_47 = arith.subf %div3A, %mul3A_46 : f32
      %broadcast_in_dim3A = vector.broadcast %sub3A_47 : f32 to vector<64x128xf32>
      %swap3A = arith.constant 0 : index
      %swap3A_48 = arith.constant 0 : index
      %swap3A_49 = vector.load %arg10[%swap3A, %swap3A_48] : memref<64x128xf32, #tpu.memory_space<vmem>>, vector<64x128xf32>
      tpu.vector_store %arg10[%swap3A, %swap3A_48], %broadcast_in_dim3A {strides = array<i32>} : memref<64x128xf32, #tpu.memory_space<vmem>>, vector<64x128xf32>,
      %add3A_50 = vector.broadcast %mul3A_13 : i32 to vector<64x128xi32>
      %add3A_51 = arith.addi %add3A, %add3A_50 : vector<64x128xi32>
      %add3A_52 = arith.constant 1 : i32
      %add3A_53 = arith.addi %while3A#0, %add3A_52 : i32
      %get3A_54 = arith.index_cast %add3A_53 : i32 to index
      %get3A_55 = memref.load %arg4[%get3A_54] : memref<8192xi32, #tpu.memory_space<smem>>
      %while3A_56:2 = scf.while (%while3A_69 = %while3A#0, %while3A_70 = %get3A_55) : (i32, i32) -> (i32, i32) {
        %lt3A = arith.cmpi slt, %while3A_70, %add3A_15 : i32
        scf.condition(%lt3A) %while3A_69, %while3A_70 : i32, i32
      } do {
      ^bb0(%while3A_69: i32, %while3A_70: i32):
        %add3A_71 = arith.constant 1 : i32
        %add3A_72 = arith.addi %while3A_69, %add3A_71 : i32
        %get3A_73 = arith.index_cast %add3A_72 : i32 to index
        %get3A_74 = memref.load %arg4[%get3A_73] : memref<8192xi32, #tpu.memory_space<smem>>
        %ge3A = vector.broadcast %get3A_74 : i32 to vector<64x128xi32>
        %ge3A_75 = arith.cmpi sge, %add3A_51, %ge3A : vector<64x128xi32>
        %get3A_76 = arith.index_cast %add3A_72 : i32 to index
        %get3A_77 = memref.load %arg4[%get3A_76] : memref<8192xi32, #tpu.memory_space<smem>>
        %get3A_78 = arith.index_cast %add3A_72 : i32 to index
        %get3A_79 = memref.load %arg5[%get3A_78] : memref<8192xf32, #tpu.memory_space<smem>>
        %add3A_80 = arith.constant 1 : i32
        %add3A_81 = arith.addi %add3A_72, %add3A_80 : i32
        %get3A_82 = arith.index_cast %add3A_81 : i32 to index
        %get3A_83 = memref.load %arg4[%get3A_82] : memref<8192xi32, #tpu.memory_space<smem>>
        %add3A_84 = arith.constant 1 : i32
        %add3A_85 = arith.addi %add3A_72, %add3A_84 : i32
        %get3A_86 = arith.index_cast %add3A_85 : i32 to index
        %get3A_87 = memref.load %arg5[%get3A_86] : memref<8192xf32, #tpu.memory_space<smem>>
        %sub3A_88 = arith.subi %get3A_83, %get3A_77 : i32
        %convert_element_type3A_89 = arith.sitofp %sub3A_88 : i32 to f32
        %max3A_90 = arith.constant 1.000000e+00 : f32
        %max3A_91 = arith.maximumf %convert_element_type3A_89, %max3A_90 : f32
        %sub3A_92 = arith.subf %get3A_87, %get3A_79 : f32
        %mul3A_93 = arith.constant 1.000000e+01 : f32
        %mul3A_94 = arith.mulf %mul3A_93, %sub3A_92 : f32
        %div3A_95 = arith.divf %mul3A_94, %max3A_91 : f32
        %add3A_96 = arith.addi %get3A_77, %get3A_83 : i32
        %add3A_97 = arith.constant 1 : i32
        %add3A_98 = arith.addi %add3A_96, %add3A_97 : i32
        %convert_element_type3A_99 = arith.sitofp %add3A_98 : i32 to f32
        %mul3A_100 = arith.constant 5.000000e-01 : f32
        %mul3A_101 = arith.mulf %mul3A_100, %convert_element_type3A_99 : f32
        %sub3A_102 = arith.subf %div3A_95, %mul3A_101 : f32
        %get3A_103 = arith.constant 0 : index
        %get3A_104 = arith.constant 0 : index
        %get3A_105 = vector.load %arg10[%get3A_103, %get3A_104] : memref<64x128xf32, #tpu.memory_space<vmem>>, vector<64x128xf32>
        %broadcast_in_dim3A_106 = vector.broadcast %sub3A_102 : f32 to vector<64x128xf32>
        %select_n3A = arith.select %ge3A_75, %broadcast_in_dim3A_106, %get3A_105 : vector<64x128xi1>, vector<64x128xf32>
        %swap3A_107 = arith.constant 0 : index
        %swap3A_108 = arith.constant 0 : index
        %swap3A_109 = vector.load %arg10[%swap3A_107, %swap3A_108] : memref<64x128xf32, #tpu.memory_space<vmem>>, vector<64x128xf32>
        tpu.vector_store %arg10[%swap3A_107, %swap3A_108], %select_n3A {strides = array<i32>} : memref<64x128xf32, #tpu.memory_space<vmem>>, vector<64x128xf32>,
        %add3A_110 = arith.constant 1 : i32
        %add3A_111 = arith.addi %add3A_72, %add3A_110 : i32
        %get3A_112 = arith.index_cast %add3A_111 : i32 to index
        %get3A_113 = memref.load %arg4[%get3A_112] : memref<8192xi32, #tpu.memory_space<smem>>
        scf.yield %add3A_72, %get3A_113 : i32, i32
      }
      %swap3A_57 = arith.constant 0 : index
      %swap3A_58 = memref.load %arg9[%swap3A_57] : memref<1xi32, #tpu.memory_space<smem>>
      memref.store %while3A_56#0, %arg9[%swap3A_57] : memref<1xi32, #tpu.memory_space<smem>>
      %mul3A_59 = arith.constant 1.000000e+01 : f32
      %mul3A_60 = vector.broadcast %mul3A_59 : f32 to vector<64x128xf32>
      %mul3A_61 = arith.mulf %mul3A_60, %get3A_1 : vector<64x128xf32>
      %get3A_62 = arith.constant 0 : index
      %get3A_63 = arith.constant 0 : index
      %get3A_64 = vector.load %arg10[%get3A_62, %get3A_63] : memref<64x128xf32, #tpu.memory_space<vmem>>, vector<64x128xf32>
      %sub3A_65 = arith.subf %mul3A_61, %get3A_64 : vector<64x128xf32>
      %swap3A_66 = arith.constant 0 : index
      %swap3A_67 = arith.constant 0 : index
      %swap3A_68 = vector.load %arg3[%swap3A_66, %swap3A_67] : memref<64x128xf32, #tpu.memory_space<vmem>>, vector<64x128xf32>
      tpu.vector_store %arg3[%swap3A_66, %swap3A_67], %sub3A_65 {strides = array<i32>} : memref<64x128xf32, #tpu.memory_space<vmem>>, vector<64x128xf32>,
    } else {
    }
    return
  }
  func.func @transform_0(%arg0: i32, %arg1: i32) -> (i32, i32) {
    %c0_i32 = arith.constant 0 : i32
    %c0_i32_0 = arith.constant 0 : i32
    return %arg1, %c0_i32 : i32, i32
  }
  func.func @transform_1(%arg0: i32, %arg1: i32) -> (i32, i32) {
    %c0_i32 = arith.constant 0 : i32
    %c0_i32_0 = arith.constant 0 : i32
    return %arg1, %c0_i32 : i32, i32
  }
}

module attributes {stable_mosaic.version = 14 : i64} {
  func.func @_loss_body(%arg0: i32, %arg1: memref<64x128xf32, #tpu.memory_space<vmem>>, %arg2: memref<64x128xf32, #tpu.memory_space<vmem>>, %arg3: memref<64x128xf32, #tpu.memory_space<vmem>>, %arg4: memref<2xf32, #tpu.memory_space<smem>>, %arg5: memref<1xf32, #tpu.memory_space<smem>>, %arg6: memref<1xf32, #tpu.memory_space<smem>>, %arg7: memref<1xf32, #tpu.memory_space<smem>>) attributes {dimension_semantics = [#tpu.dimension_semantics<arbitrary>], iteration_bounds = array<i64: 128>, scalar_prefetch = 0 : i64, scratch_operands = 3 : i64, tpu.core_type = #tpu.core_type<tc>, window_params = [{transform_indices = @transform_0, window_bounds = array<i64: 64, 128>}, {transform_indices = @transform_1, window_bounds = array<i64: 64, 128>}, {transform_indices = @transform_2, window_bounds = array<i64: 64, 128>}, {transform_indices = @transform_3, window_bounds = array<i64: 2>}]} {
    %eq3A = arith.constant 0 : i32
    %eq3A_0 = arith.cmpi eq, %arg0, %eq3A : i32
    %convert_element_type3A = arith.extui %eq3A_0 : i1 to i32
    %cond3A = arith.constant 0 : i32
    %cond3A_1 = arith.cmpi ne, %convert_element_type3A, %cond3A : i32
    scf.if %cond3A_1 {
      %swap3A_74 = arith.constant 0.000000e+00 : f32
      %swap3A_75 = arith.constant 0 : index
      %swap3A_76 = memref.load %arg5[%swap3A_75] : memref<1xf32, #tpu.memory_space<smem>>
      memref.store %swap3A_74, %arg5[%swap3A_75] : memref<1xf32, #tpu.memory_space<smem>>
      %swap3A_77 = arith.constant 0.000000e+00 : f32
      %swap3A_78 = arith.constant 0 : index
      %swap3A_79 = memref.load %arg6[%swap3A_78] : memref<1xf32, #tpu.memory_space<smem>>
      memref.store %swap3A_77, %arg6[%swap3A_78] : memref<1xf32, #tpu.memory_space<smem>>
      %swap3A_80 = arith.constant 0.000000e+00 : f32
      %swap3A_81 = arith.constant 0 : index
      %swap3A_82 = memref.load %arg7[%swap3A_81] : memref<1xf32, #tpu.memory_space<smem>>
      memref.store %swap3A_80, %arg7[%swap3A_81] : memref<1xf32, #tpu.memory_space<smem>>
    } else {
    }
    %get3A = arith.constant 0 : index
    %get3A_2 = arith.constant 0 : index
    %get3A_3 = vector.load %arg1[%get3A, %get3A_2] : memref<64x128xf32, #tpu.memory_space<vmem>>, vector<64x128xf32>
    %get3A_4 = arith.constant 0 : index
    %get3A_5 = arith.constant 0 : index
    %get3A_6 = vector.load %arg2[%get3A_4, %get3A_5] : memref<64x128xf32, #tpu.memory_space<vmem>>, vector<64x128xf32>
    %get3A_7 = arith.constant 0 : index
    %get3A_8 = arith.constant 0 : index
    %get3A_9 = vector.load %arg3[%get3A_7, %get3A_8] : memref<64x128xf32, #tpu.memory_space<vmem>>, vector<64x128xf32>
    %sub3A = arith.subf %get3A_3, %get3A_6 : vector<64x128xf32>
    %get3A_10 = arith.constant 0 : index
    %get3A_11 = memref.load %arg5[%get3A_10] : memref<1xf32, #tpu.memory_space<smem>>
    %mul3A = arith.mulf %sub3A, %sub3A : vector<64x128xf32>
    %reduce_sum3A = vector.shape_cast %mul3A : vector<64x128xf32> to vector<1x64x128xf32>
    %reduce_sum3A_12 = arith.constant dense<0.000000e+00> : vector<1xf32>
    %reduce_sum3A_13 = vector.multi_reduction <add>, %reduce_sum3A, %reduce_sum3A_12 [1, 2] : vector<1x64x128xf32> to vector<1xf32>
    %reduce_sum3A_14 = vector.shape_cast %reduce_sum3A_13 : vector<1xf32> to vector<1x1x1xf32>
    %reduce_sum3A_15 = vector.extract %reduce_sum3A_14[0, 0, 0] : f32 from vector<1x1x1xf32>
    %add3A = arith.addf %get3A_11, %reduce_sum3A_15 : f32
    %swap3A = arith.constant 0 : index
    %swap3A_16 = memref.load %arg5[%swap3A] : memref<1xf32, #tpu.memory_space<smem>>
    memref.store %add3A, %arg5[%swap3A] : memref<1xf32, #tpu.memory_space<smem>>
    %iota3A = tpu.iota {dimensions = array<i32: 1>} : vector<64x128xi32>
    %iota3A_17 = tpu.iota {dimensions = array<i32: 0>} : vector<64x128xi32>
    %mul3A_18 = arith.constant 128 : i32
    %mul3A_19 = vector.broadcast %mul3A_18 : i32 to vector<64x128xi32>
    %mul3A_20 = arith.muli %iota3A_17, %mul3A_19 : vector<64x128xi32>
    %add3A_21 = arith.addi %mul3A_20, %iota3A : vector<64x128xi32>
    %get3A_22 = arith.constant 0 : index
    %get3A_23 = memref.load %arg7[%get3A_22] : memref<1xf32, #tpu.memory_space<smem>>
    %slice3A = vector.extract_strided_slice %get3A_9 {offsets = [0, 127], sizes = [64, 1], strides = [1, 1]} : vector<64x128xf32> to vector<64x1xf32>
    %broadcast_in_dim3A = vector.broadcast %get3A_23 : f32 to vector<1x1xf32>
    %slice3A_24 = vector.extract_strided_slice %slice3A {offsets = [0, 0], sizes = [63, 1], strides = [1, 1]} : vector<64x1xf32> to vector<63x1xf32>
    %concatenate3A = tpu.concatenate %broadcast_in_dim3A, %slice3A_24 in 0 : vector<1x1xf32>, vector<63x1xf32> -> vector<64x1xf32>
    %eq3A_25 = arith.constant 0 : i32
    %eq3A_26 = vector.broadcast %eq3A_25 : i32 to vector<64x128xi32>
    %eq3A_27 = arith.cmpi eq, %iota3A, %eq3A_26 : vector<64x128xi32>
    %broadcast_in_dim3A_28 = arith.constant 0.000000e+00 : f32
    %broadcast_in_dim3A_29 = vector.broadcast %broadcast_in_dim3A_28 : f32 to vector<64x1xf32>
    %slice3A_30 = vector.extract_strided_slice %get3A_9 {offsets = [0, 0], sizes = [64, 127], strides = [1, 1]} : vector<64x128xf32> to vector<64x127xf32>
    %concatenate3A_31 = tpu.concatenate %broadcast_in_dim3A_29, %slice3A_30 in 1 : vector<64x1xf32>, vector<64x127xf32> -> vector<64x128xf32>
    %broadcast_in_dim3A_32 = vector.shape_cast %concatenate3A : vector<64x1xf32> to vector<64x1xf32>
    %broadcast_in_dim3A_33 = vector.broadcast %broadcast_in_dim3A_32 : vector<64x1xf32> to vector<64x128xf32>
    %select_n3A = arith.select %eq3A_27, %broadcast_in_dim3A_33, %concatenate3A_31 : vector<64x128xi1>, vector<64x128xf32>
    %mul3A_34 = arith.constant 8192 : i32
    %mul3A_35 = arith.muli %arg0, %mul3A_34 : i32
    %add3A_36 = vector.broadcast %mul3A_35 : i32 to vector<64x128xi32>
    %add3A_37 = arith.addi %add3A_21, %add3A_36 : vector<64x128xi32>
    %gt3A = arith.constant 0 : i32
    %gt3A_38 = vector.broadcast %gt3A : i32 to vector<64x128xi32>
    %gt3A_39 = arith.cmpi sgt, %add3A_37, %gt3A_38 : vector<64x128xi32>
    %get3A_40 = arith.constant 0 : index
    %get3A_41 = memref.load %arg6[%get3A_40] : memref<1xf32, #tpu.memory_space<smem>>
    %sub3A_42 = arith.subf %get3A_9, %select_n3A : vector<64x128xf32>
    %abs3A = math.absf %sub3A_42 : vector<64x128xf32>
    %jit3A = arith.constant 0.000000e+00 : f32
    %broadcast_in_dim3A_43 = vector.broadcast %jit3A : f32 to vector<64x128xf32>
    %select_n3A_44 = arith.select %gt3A_39, %abs3A, %broadcast_in_dim3A_43 : vector<64x128xi1>, vector<64x128xf32>
    %reduce_sum3A_45 = vector.shape_cast %select_n3A_44 : vector<64x128xf32> to vector<1x64x128xf32>
    %reduce_sum3A_46 = arith.constant dense<0.000000e+00> : vector<1xf32>
    %reduce_sum3A_47 = vector.multi_reduction <add>, %reduce_sum3A_45, %reduce_sum3A_46 [1, 2] : vector<1x64x128xf32> to vector<1xf32>
    %reduce_sum3A_48 = vector.shape_cast %reduce_sum3A_47 : vector<1xf32> to vector<1x1x1xf32>
    %reduce_sum3A_49 = vector.extract %reduce_sum3A_48[0, 0, 0] : f32 from vector<1x1x1xf32>
    %add3A_50 = arith.addf %get3A_41, %reduce_sum3A_49 : f32
    %swap3A_51 = arith.constant 0 : index
    %swap3A_52 = memref.load %arg6[%swap3A_51] : memref<1xf32, #tpu.memory_space<smem>>
    memref.store %add3A_50, %arg6[%swap3A_51] : memref<1xf32, #tpu.memory_space<smem>>
    %eq3A_53 = arith.constant 63 : i32
    %eq3A_54 = vector.broadcast %eq3A_53 : i32 to vector<64x128xi32>
    %eq3A_55 = arith.cmpi eq, %iota3A_17, %eq3A_54 : vector<64x128xi32>
    %eq3A_56 = arith.constant 127 : i32
    %eq3A_57 = vector.broadcast %eq3A_56 : i32 to vector<64x128xi32>
    %eq3A_58 = arith.cmpi eq, %iota3A, %eq3A_57 : vector<64x128xi32>
    %and3A = arith.andi %eq3A_55, %eq3A_58 : vector<64x128xi1>
    %jit3A_59 = arith.constant 0.000000e+00 : f32
    %broadcast_in_dim3A_60 = vector.broadcast %jit3A_59 : f32 to vector<64x128xf32>
    %select_n3A_61 = arith.select %and3A, %get3A_9, %broadcast_in_dim3A_60 : vector<64x128xi1>, vector<64x128xf32>
    %reduce_sum3A_62 = vector.shape_cast %select_n3A_61 : vector<64x128xf32> to vector<1x64x128xf32>
    %reduce_sum3A_63 = arith.constant dense<0.000000e+00> : vector<1xf32>
    %reduce_sum3A_64 = vector.multi_reduction <add>, %reduce_sum3A_62, %reduce_sum3A_63 [1, 2] : vector<1x64x128xf32> to vector<1xf32>
    %reduce_sum3A_65 = vector.shape_cast %reduce_sum3A_64 : vector<1xf32> to vector<1x1x1xf32>
    %reduce_sum3A_66 = vector.extract %reduce_sum3A_65[0, 0, 0] : f32 from vector<1x1x1xf32>
    %swap3A_67 = arith.constant 0 : index
    %swap3A_68 = memref.load %arg7[%swap3A_67] : memref<1xf32, #tpu.memory_space<smem>>
    memref.store %reduce_sum3A_66, %arg7[%swap3A_67] : memref<1xf32, #tpu.memory_space<smem>>
    %eq3A_69 = arith.constant 127 : i32
    %eq3A_70 = arith.cmpi eq, %arg0, %eq3A_69 : i32
    %convert_element_type3A_71 = arith.extui %eq3A_70 : i1 to i32
    %cond3A_72 = arith.constant 0 : i32
    %cond3A_73 = arith.cmpi ne, %convert_element_type3A_71, %cond3A_72 : i32
    scf.if %cond3A_73 {
      %get3A_74 = arith.constant 0 : index
      %get3A_75 = memref.load %arg6[%get3A_74] : memref<1xf32, #tpu.memory_space<smem>>
      %mul3A_76 = arith.constant 3.000000e+00 : f32
      %mul3A_77 = arith.mulf %mul3A_76, %get3A_75 : f32
      %div3A = arith.constant 1.09951163E+12 : f32
      %div3A_78 = arith.divf %mul3A_77, %div3A : f32
      %sub3A_79 = arith.constant 1.000000e+00 : f32
      %sub3A_80 = arith.subf %sub3A_79, %div3A_78 : f32
      %get3A_81 = arith.constant 0 : index
      %get3A_82 = memref.load %arg5[%get3A_81] : memref<1xf32, #tpu.memory_space<smem>>
      %div3A_83 = arith.constant 0x49800000 : f32
      %div3A_84 = arith.divf %get3A_82, %div3A_83 : f32
      %sub3A_85 = arith.subf %div3A_84, %sub3A_80 : f32
      %swap3A_86 = arith.constant 0 : index
      %swap3A_87 = memref.load %arg4[%swap3A_86] : memref<2xf32, #tpu.memory_space<smem>>
      memref.store %sub3A_85, %arg4[%swap3A_86] : memref<2xf32, #tpu.memory_space<smem>>
      %swap3A_88 = arith.constant 1 : index
      %swap3A_89 = memref.load %arg4[%swap3A_88] : memref<2xf32, #tpu.memory_space<smem>>
      memref.store %sub3A_80, %arg4[%swap3A_88] : memref<2xf32, #tpu.memory_space<smem>>
    } else {
    }
    return
  }
  func.func @transform_0(%arg0: i32) -> (i32, i32) {
    %c0_i32 = arith.constant 0 : i32
    %c0_i32_0 = arith.constant 0 : i32
    return %arg0, %c0_i32 : i32, i32
  }
  func.func @transform_1(%arg0: i32) -> (i32, i32) {
    %c0_i32 = arith.constant 0 : i32
    %c0_i32_0 = arith.constant 0 : i32
    return %arg0, %c0_i32 : i32, i32
  }
  func.func @transform_2(%arg0: i32) -> (i32, i32) {
    %c0_i32 = arith.constant 0 : i32
    %c0_i32_0 = arith.constant 0 : i32
    return %arg0, %c0_i32 : i32, i32
  }
  func.func @transform_3(%arg0: i32) -> i32 {
    %c0_i32 = arith.constant 0 : i32
    %c0_i32_0 = arith.constant 0 : i32
    return %c0_i32 : i32
  }
}

</mosaic_0001>

<sc_bundles>
// kernel: gather_offload_async_start
scs
__scs_entry_jumppad:
0x0: {  	(pc) =	sbr.rel $0x88, $3  }
0x1: {  	(tag) =	ssettag $0x0;
	lr =	simm.s32 $0x1  }
0x2: {  	[smem:$0x3F9F] =	sst lr;
	_ =	strace $0xD0000000  }
0x3: {  	_ = 	snop  }
0x4: {  	_ = 	snop  }
0x5: {  	_ = 	snop  }
0x6: {  	_ = 	snop  }
0x7: {  	_ = 	snop  }
__scs_overlays_trampoline_lowered:
0x8: {  	[smem:$0x3FAE] =	sst s0  }
0x9: {  	[smem:$0x3FAF] =	sst s1  }
0xa: {  	[smem:$0x3FB0] =	sst s2  }
0xb: {  	[smem:$0x3FB1] =	sst s3  }
0xc: {  	[smem:$0x3FB2] =	sst s4  }
0xd: {  	[smem:$0x3FB3] =	sst s5  }
0xe: {  	[smem:$0x3FB4] =	sst s6  }
0xf: {  	[smem:$0x3FB5] =	sst s7  }
0x10: {  	[smem:$0x3FB6] =	sst s8  }
0x11: {  	[smem:$0x3FB7] =	sst s9;
	s0 =	simm.s32 @!p0 $0x0  }
0x12: {  	s1 =	sld [smem:$0x3F9D];
	s0 =	simm.s32 @p0 $0x1  }
0x13: {  	[smem:$0x3FB8] =	sst s0;
	s0 =	simm.s32 @!p1 $0x0  }
0x14: {  	s2 =	sld [smem:$0x3F9C];
	s0 =	simm.s32 @p1 $0x1  }
0x15: {  	[smem:$0x3FB9] =	sst s0;
	s0 =	simm.s32 @!p2 $0x0  }
0x16: {  	s3 =	sld [smem:$0x3FDB];
	s0 =	simm.s32 @p2 $0x1  }
0x17: {  	s4 =	simm.s32 $0x1BF5;
	[smem:$0x3FBB] =	sst s0  }
0x18: {  	s0 =	sld [smem:$0x3F9E];
	_ =	swait.ge [sflag:s4], $0x0  }
0x19: {  	s7 =	sld [smem:$0x3F9F]  }
0x1a: {  	s8 =	sadd.s32 $0xFFFFE003, lr  }
0x1b: {  	s9 =	sadd.s32 $0xFFFFFEF7, lr;
	s5 =	simm.s32 $0xFFFFFFFF;
	p2 =	slt.u32 s8, $0xFFFFF086  }
0x1c: {  	p1 =	slt.u32 s9, $0xF7A;
	s5 =	simm.s32 @!p2 $0x0  }
0x1d: {  	s5 =	simm.s32 @p1 $0x1;
	p0 =	seq.s32 s7, s2  }
0x1e: {  	s7 =	smul.u32 @!p0 $0xF7A, s2;
	p2 =	seq.s32 @!p0 s5, $0x0  }
0x1f: {  	s9 =	smul.u32 $0xF7A, s1;
	s8 =	simm.s32 @!p0 $0x1BF5;
	p2 =	por !p2, p0  }
0x20: {  	[sflag:s8] =	ssyncset.s32 @!p0 $0xFFFFF086;
	s6 =	sadd.s32 @!p0 s3, s7;
	s7 =	simm.s32 @!p0 $0x108  }
0x21: {  	s3 =	sadd.s32 s3, s9;
	s6 =	sadd.s32 @!p0 $0x88, s6;
	s7 =	simm.s32 @p2 $0x1082  }
0x22: {  	[simem:s7], [sflag:s8] =	dma.local @!p0 [hbm:s6], $0xF7A  }
0x23: {  	s9 =	sor.u32 $0xD0000000, s2;
	s6 =	simm.s32 $0x108;
	_ =	swait.ge @!p0 [sflag:s8], $0x0  }
0x24: {  	s3 =	sadd.s32 $0x88, s3;
	s6 =	simm.s32 @!p1 $0x1082;
	[sflag:s4] =	ssyncset.s32 $0xFFFFF086  }
0x25: {  	[simem:s6], [sflag:s4] =	dma.local [hbm:s3], $0xF7A  }
0x26: {  	[smem:$0x3F9F] =	sst s1;
	(tag) =	ssettag s2;
	_ =	strace s9  }
0x27: {  	s1 =	sld [smem:$0x3FAF]  }
0x28: {  	s2 =	sld [smem:$0x3FB0]  }
0x29: {  	s4 =	sld [smem:$0x3FB2]  }
0x2a: {  	p0 =	seq.s32 s5, $0x0;
	s5 =	sld [smem:$0x3FB3]  }
0x2b: {  	s6 =	sld [smem:$0x3FB4]  }
0x2c: {  	s7 =	sld [smem:$0x3FB5]  }
0x2d: {  	s3 =	simm.s32 $0x108;
	s8 =	sld [smem:$0x3FB6]  }
0x2e: {  	s3 =	simm.s32 @!p0 $0x1082;
	s9 =	sld [smem:$0x3FB7]  }
0x2f: {  	lr =	sadd.s32 s0, s3;
	s0 =	sld [smem:$0x3FAE]  }
0x30: {  	s3 =	sld [smem:$0x3FB1]  }
0x31: {  	[smem:$0x3FBA] =	sst s10  }
0x32: {  	s10 =	sld [smem:$0x3FB8];
	_ =	sdelay $0x3  }
0x33: {  	p0 =	seq.s32 s10, $0x1;
	s10 =	sld [smem:$0x3FBA];
	_ =	sdelay $0x3  }
0x34: {  	[smem:$0x3FBA] =	sst s10  }
0x35: {  	s10 =	sld [smem:$0x3FB9];
	_ =	sdelay $0x3  }
0x36: {  	p1 =	seq.s32 s10, $0x1;
	s10 =	sld [smem:$0x3FBA];
	_ =	sdelay $0x3  }
0x37: {  	[smem:$0x3FBA] =	sst s10  }
0x38: {  	s10 =	sld [smem:$0x3FBB]  }
0x39: {  	_ = 	snop;
	(pc) =	sbr.ind lr, $3  }
0x3a: {  	_ = 	snop  }
0x3b: {  	_ = 	snop  }
0x3c: {  	p2 =	seq.s32 s10, $0x1;
	s10 =	sld [smem:$0x3FBA]  }
0x3d: {  	_ =	shalt  }
0x3e: {  	_ =	shalt  }
0x3f: {  	_ =	shalt  }
0x40: {  	_ =	shalt  }
0x41: {  	_ =	shalt  }
0x42: {  	_ =	shalt  }
0x43: {  	_ =	shalt  }
0x44: {  	_ =	shalt  }
0x45: {  	_ =	shalt  }
0x46: {  	_ =	shalt  }
0x47: {  	_ =	shalt  }
0x48: {  	_ =	shalt  }
0x49: {  	_ =	shalt  }
0x4a: {  	_ =	shalt  }
0x4b: {  	_ =	shalt  }
0x4c: {  	_ =	shalt  }
0x4d: {  	_ =	shalt  }
0x4e: {  	_ =	shalt  }
0x4f: {  	_ =	shalt  }
0x50: {  	_ =	shalt  }
0x51: {  	_ =	shalt  }
0x52: {  	_ =	shalt  }
0x53: {  	_ =	shalt  }
0x54: {  	_ =	shalt  }
0x55: {  	_ =	shalt  }
0x56: {  	_ =	shalt  }
0x57: {  	_ =	shalt  }
0x58: {  	_ =	shalt  }
0x59: {  	_ =	shalt  }
0x5a: {  	_ =	shalt  }
0x5b: {  	_ =	shalt  }
0x5c: {  	_ =	shalt  }
0x5d: {  	_ =	shalt  }
0x5e: {  	_ =	shalt  }
0x5f: {  	_ =	shalt  }
0x60: {  	_ =	shalt  }
0x61: {  	_ =	shalt  }
0x62: {  	_ =	shalt  }
0x63: {  	_ =	shalt  }
0x64: {  	_ =	shalt  }
0x65: {  	_ =	shalt  }
0x66: {  	_ =	shalt  }
0x67: {  	_ =	shalt  }
0x68: {  	_ =	shalt  }
0x69: {  	_ =	shalt  }
0x6a: {  	_ =	shalt  }
0x6b: {  	_ =	shalt  }
0x6c: {  	_ =	shalt  }
0x6d: {  	_ =	shalt  }
0x6e: {  	_ =	shalt  }
0x6f: {  	_ =	shalt  }
0x70: {  	_ =	shalt  }
0x71: {  	_ =	shalt  }
0x72: {  	_ =	shalt  }
0x73: {  	_ =	shalt  }
0x74: {  	_ =	shalt  }
0x75: {  	_ =	shalt  }
0x76: {  	_ =	shalt  }
0x77: {  	_ =	shalt  }
0x78: {  	_ =	shalt  }
0x79: {  	_ =	shalt  }
0x7a: {  	_ =	shalt  }
0x7b: {  	_ =	shalt  }
0x7c: {  	_ =	shalt  }
0x7d: {  	_ =	shalt  }
0x7e: {  	_ =	shalt  }
0x7f: {  	_ =	shalt  }
0x80: {  	_ =	shalt  }
0x81: {  	_ =	shalt  }
0x82: {  	_ =	shalt  }
0x83: {  	_ =	shalt  }
0x84: {  	_ =	shalt  }
0x85: {  	_ =	shalt  }
0x86: {  	_ =	shalt  }
0x87: {  	_ =	shalt  }
.Lfunc_end0:
.L_simem_size_0:
called_computation_lowered:
.L_overlay_start_0:
0x88: {  	s2 =	sld [smem:$0x3FD9]  }
0x89: {  	s3 =	sld [smem:$0x3FFE];
	_ =	sdelay $0x1  }
0x8a: {  	s1 =	srdreg.scid  }
0x8b: {  	s0 =	sand.u32 $0x1, s1  }
0x8c: {  	s16 =	sshll.u32 s0, $0xA;
	s2 =	sadd.s32 s3, s2  }
0x8d: {  	s2 =	sadd.s32 s2, s16  }
0x8e: {  	[smem:$0x3FC6] =	sst s2  }
0x8f: {  	_ = 	snop  }
0x90: {  	(tm) =	ssettm $0x1  }
0x91: {  	s17 =	sld [smem:$0x3FFB];
	_ =	sdelay $0x3  }
0x92: {  	_ =	strace s17  }
0x93: {  	s2 =	sld [smem:$0x3FFC];
	_ =	sdelay $0x3  }
0x94: {  	_ =	strace s2  }
0x95: {  	s2 =	sld [smem:$0x3FFD];
	_ =	sdelay $0x3  }
0x96: {  	_ =	strace s2  }
0x97: {  	_ =	strace $0x8FFFFFFF  }
0x98: {  	s18 =	sld [smem:$0x3FDB];
	_ =	sdelay $0x1  }
0x99: {  	s19 =	simm.s32 $_scs_section_size  }
0x9a: {  	s4 =	simm.s32 $_size__tile_overlayer_lowered;
	s5 =	simm.s32 $_tile_overlayer_lowered  }
0x9b: {  	s22 =	simm.s32 $0x1BFF;
	s21 =	sshll.u32 s5, $0x1;
	s2 =	sadd.s32 s19, s18  }
0x9c: {  	s6 =	simm.s32 $0x0;
	s20 =	sshll.u32 s4, $0x1;
	s4 =	sadd.s32 s21, s2  }
0x9d: {  	[timem:s6], [sflag:s22] =	dma.local [hbm:s4], s20  }
0x9e: {  	_ =	swait.ge [sflag:s22], s20  }
0x9f: {  	s3 =	ssub.s32 $0x0, s20;
	[sflag:s22] =	ssyncset.done $0x0  }
0xa0: {  	[sflag:s22] =	ssyncadd.s32 s3;
	_ =	sdelay $0x1  }
0xa1: {  	s23 =	simm.s32 $0x1B8B  }
0xa2: {  	_ =	swait.ge [sflag:s23], $0x1  }
0xa3: {  	[sflag:s23] =	ssyncset.done $0x0  }
0xa4: {  	s25 =	simm.s32 $0x1B8E;
	s24 =	sld [smem:$0x3FFE];
	[sflag:s23] =	ssyncadd.s32 $0xFFFFFFFF  }
0xa5: {  	s26 =	simm.s32 $execute0_lowered;
	[smem:$0x3FD2] =	sst s25  }
0xa6: {  	s4 =	sshll.u32 s26, $0x1;
	_ =	strace $0x80000046;
	[dreg:$0x1] =	wrdreg $0xFFFFFFFF  }
0xa7: {  	s28 =	simm.s32 $_size_execute0_lowered;
	s2 =	sadd.s32 s2, s4;
	[dreg:$0x0] =	wrdreg $0x0  }
0xa8: {  	s4 =	sshll.u32 s28, $0x1;
	[dreg:$0x2] =	wrdreg s2  }
0xa9: {  	[dreg:$0x3] =	wrdreg s4  }
0xaa: {  	[dreg:$0x4] =	wrdreg $0xC0  }
0xab: {  	_ =	task [dreg:s6], $0x5FFFF  }
0xac: {  	[dreg:$0x1] =	wrdreg $0xFFFFFFFF  }
0xad: {  	[dreg:$0x0] =	wrdreg $0x60  }
0xae: {  	[dreg:$0x2] =	wrdreg s24  }
0xaf: {  	[dreg:$0x3] =	wrdreg $0x9  }
0xb0: {  	_ =	task.clear_ibuf [dreg:s6], $0x4FFFF;
	_ =	strace $0x90000046  }
0xb1: {  	s29 =	simm.s32 $0x9;
	_ =	strace $0x80000048  }
0xb2: {  	_ =	swait.ge [sflag:s29], $0x1  }
0xb3: {  	[sflag:s29] =	ssyncadd.s32 $0xFFFFFFFF  }
0xb4: {  	_ =	strace $0x90000048  }
0xb5: {  	_ =	sfence  }
0xb6: {  	s30 =	sld [smem:$0x0];
	_ =	sdelay $0x2  }
0xb7: {  	s31 =	sshll.u32 s1, $0xD;
	s1 =	sshrl.u32 s1, $0x2  }
0xb8: {  	s3 =	sand.u32 $0x4000, s31;
	s1 =	sadd.s32 s1, s30  }
0xb9: {  	s0 =	sor.u32 s3, s0;
	s1 =	sshll.u32 s1, $0x11  }
0xba: {  	s0 =	sor.u32 s1, s0  }
0xbb: {  	s0 =	sadd.s32 $0x8F2B, s0  }
0xbc: {  	[sflag:s0] =	ssyncadd.remote.s32 $0x1  }
0xbd: {  	_ =	sfence.sel $0xFFFF  }
0xbe: {  	[dreg:$0x0] =	wrdreg $0xFFFFFFFF;
	(pc) =	sbr.abs _section_cstart, $3  }
0xbf: {  	[dreg:$0x1] =	wrdreg $0xFFFFFFFF  }
0xc0: {  	_ =	task.clear_ibuf [dreg:s6], $0x2FFFF;
	_ =	strace $0x9FFFFFFF  }
0xc1: {  	(tm) =	ssettm $0x7FFFFFFF  }
tec
execute0_lowered:
.L_overlay_start_1:
0x0: {  	(tag) =	ssettag $0x1  }
0x1: {  	s0 =	srdreg.scid;
	s5 =	rddreg [dreg:$0x0]  }
0x2: {  	s1 =	stileid.u32;
	s6 =	simm.s32 $0x1;
	s9 =	simm.s32 $0x1  }
0x3: {  	s10 =	simm.s32 $0x3;
	s13 =	simm.s32 $0x0;
	s2 =	sshll.u32 s0, $0xE  }
0x4: {  	s12 =	simm.s32 $0x0;
	s3 =	sshll.u32 s1, $0xF;
	s2 =	sand.u32 $0x4000, s2  }
0x5: {  	s0 =	rddreg [dreg:$0x1];
	_ =	strace $0x80000047;
	s2 =	sor.u32 s3, s2  }
0x6: {  	s4 =	sadd.s32 $0x20000, s5;
	[sflag:s6] =	ssyncpa.u1 $0x0;
	s8 =	ssub.s32 $0x100000, s2  }
.Ltmp0:
0x7: {  	s3 =	sadd.s32 $0x40000, s5;
	s7 =	sand.u32 $0x7C000, s8;
	(pc) =	sbr.rel .LBB2_1-.Ltmp0, $4  }
0x8: {  	s5 =	sadd.s32 $0x60000, s5;
	s11 =	smov.u32 s2;
	p0 =	sne.s32 s7, $0x0  }
0x9: {  	s8 =	sshrl.u32 s8, $0x13;
	s7 =	simm.s32 $0x2;
	s9 =	simm.s32 @!p0 $0x0  }
0xa: {  	[sflag:s7] =	ssyncpa.u1 $0x0;
	p0 =	por $0x0, $0x0;
	s8 =	sadd.s32 s9, s8  }
0xb: {  	vm0 =	vmmov $0xffff;
	[sflag:s10] =	ssyncpa.u1 $0x0;
	s10 =	simm.s32 $0x0;
	s9 =	sadd.s32 $0x1, s8  }
.LBB2_4:
0xc: {  	v2 =	vnsel vm1, $0x0, v2  }
0xd: {  	vm1 =	vgt.s32 v0, $0x0;
	v2 =	vmin.u32 v2, $0xFFFFF  }
0xe: {  	v0 =	vnsel vm1, $0x0, v0  }
0xf: {  	v0 =	vmin.u32 v0, $0xFFFFF  }
0x10: {  	[tilespmem:s15], [sflag:$0x1] =	stream.indirect_vreg.gather [hbm4b:s3+s10], $0x1, v1, vm0, $0x4038;
	[tilespmem:$0x10000] =	vst v63  }
0x11: {  	(ifvalue) =	ssetifvalue $0x7FFFFFFF  }
0x12: {  	[tilespmem:s16], [sflag:$0x1] =	stream.indirect_vreg.gather [hbm4b:s3+s10], $0x1, v2, vm0, $0x4038;
	[tilespmem:$0x10000] =	vst v63  }
0x13: {  	s29 =	sadd.s32 $0x10, s16;
	(ifvalue) =	ssetifvalue $0x7FFFFFFF  }
0x14: {  	[tilespmem:s29], [sflag:$0x1] =	stream.indirect_vreg.gather [hbm4b:s3+s10], $0x1, v0, vm0, $0x4038;
	[tilespmem:$0x10000] =	vst v63  }
0x15: {  	_ =	swait.ge [sflag:s6], $0x4000  }
0x16: {  	s30 =	sshrl.u32 s13, $0x3;
	[sflag:s6] =	ssyncset.done $0x0  }
0x17: {  	s31 =	sand.u32 $0x7, s13;
	s15 =	sadd.s32 s5, s30;
	[sflag:s6] =	ssyncadd.s32 $0xFFFFC000  }
0x18: {  	[hbm4b:s15+s31] =	stream.linear.scatter [tilespmem:s14], [sflag:$0x3], $0x4000, $0x38;
	[tilespmem:$0x10000] =	vst v63  }
.LBB2_5:
0x19: {  	s15 =	sadd.s32 $0x80000, s11  }
0x1a: {  	p2 =	sgt.s32 s15, $0xFFFFF  }
0x1b: {  	s15 =	smov.u32 @p2 s2;
	p2 =	sne.s32 s12, s9  }
.Ltmp1:
0x1c: {  	p1 =	slt.u32 s12, $0x2;
	(pc) =	sbr.rel @!p2 .LBB2_6-.Ltmp1, $4  }
0x1d: {  	s14 =	simm.s32 @!p1 $0x3  }
0x1e: {  	s16 =	sadd.s32 $0x1, s12;
	_ =	swait.ge @!p1 [sflag:s14], $0x4000  }
0x1f: {  	s13 =	smov.u32 s11;
	p0 =	por !p0, !p0;
	[sflag:s14] =	ssyncset.done @!p1 $0x0  }
0x20: {  	s12 =	smov.u32 s16;
	s11 =	smov.u32 s15;
	[sflag:s14] =	ssyncadd.s32 @!p1 $0xFFFFC000  }
.LBB2_1:
0x21: {  	p1 =	sge.u32 s12, s8  }
0x22: {  	s14 =	sxor.u32 @!p1 $0xFFFFFFFF, s12  }
0x23: {  	s31 =	sadd.s32 $0xFFFFFFFF, s12;
	s15 =	sshrl.u32 @!p1 s11, $0x3;
	s14 =	sshll.u32 @!p1 s14, $0xE  }
0x24: {  	s16 =	sand.u32 @!p1 $0x7, s11;
	s15 =	sadd.s32 @!p1 s4, s15;
	s14 =	sand.u32 @!p1 $0x4000, s14  }
0x25: {  	[tilespmem:s14], [sflag:$0x2] =	stream.linear.gather @!p1 [hbm4b:s15+s16], $0x4000, $0x38;
	[tilespmem:$0x10000] =	vst v63  }
0x26: {  	p1 =	sge.u32 s31, s8  }
.Ltmp2:
0x27: {  	_ = 	snop;
	(pc) =	sbr.rel @p1 .LBB2_5-.Ltmp2, $1  }
0x28: {  	_ =	sdelay $0x3  }
0x29: {  	s14 =	simm.s32 $0x1  }
0x2a: {  	_ =	swait.ge [sflag:s7], $0x4000;
	s14 =	simm.s32 @!p0 $0x0  }
0x2b: {  	[sflag:s7] =	ssyncset.done $0x0;
	s14 =	sshll.u32 s14, $0xE  }
0x2c: {  	[sflag:s7] =	ssyncadd.s32 $0xFFFFC000;
	(ifvalue) =	ssetifvalue $0x7FFFFFFF;
	v0 =	vld.msk [tilespmem:s14+$0x0 ss:$0x1], $0xffff;
	_ =	sdelay $0x4  }
0x2d: {  	s15 =	sadd.s32 $0x10, s14;
	vm1 =	vgt.s32 v0, $0x0  }
0x2e: {  	v2 =	vld.msk [tilespmem:s15+$0x0 ss:$0x1], $0xffff;
	v1 =	vnsel vm1, $0x0, v0  }
0x2f: {  	v1 =	vmin.u32 v1, $0xFFFFF;
	_ =	sdelay $0x1  }
0x30: {  	s16 =	sshll.u32 s12, $0xE;
	s18 =	simm.s32 $0x20  }
0x31: {  	s16 =	sand.u32 $0x4000, s16;
	s17 =	sadd.s32 $0x10, s15;
	s15 =	sor.u32 $0x8000, s14  }
0x32: {  	s14 =	sor.u32 $0x8000, s16;
	s16 =	sadd.s32 $0x10, s15;
	v0 =	vld.msk [tilespmem:s17+$0x0 ss:$0x1], $0xffff;
	vm1 =	vgt.s32 v2, $0x0;
	(ifvalue) =	ssetifvalue $0x7FFFFFFF  }
.LBB2_3:
0x33: {  	[tilespmem:s15], [sflag:$0x1] =	stream.indirect_vreg.gather [hbm4b:s3+s10], $0x1, v1, vm0, $0x4038;
	[tilespmem:$0x10000] =	vst v63  }
0x34: {  	s18 =	sadd.s32 $0x10, s18  }
0x35: {  	v2 =	vnsel vm1, $0x0, v2;
	p1 =	slt.u32 s18, $0x3FF0  }
.Ltmp3:
0x36: {  	s15 =	smov.u32 s16;
	v1 =	vmin.u32 v2, $0xFFFFF;
	(pc) =	sbr.rel @p1 .LBB2_3-.Ltmp3, $3  }
0x37: {  	_ =	sdelay $0x1  }
0x38: {  	s17 =	sadd.s32 $0x10, s17  }
0x39: {  	vm1 =	vgt.s32 v0, $0x0;
	s16 =	sadd.s32 $0x10, s16;
	v2 =	vmov v0;
	(ifvalue) =	ssetifvalue $0x7FFFFFFF;
	v0 =	vld.msk [tilespmem:s17+$0x0 ss:$0x1], $0xffff  }
.Ltmp4:
0x3a: {  	_ = 	snop;
	(pc) =	sbr.rel .LBB2_4-.Ltmp4, $1  }
0x3b: {  	_ =	sdelay $0x3  }
.LBB2_6:
0x3c: {  	_ =	sfence.sel $0x180000  }
0x3d: {  	s2 =	simm.s32 $0x2;
	[bflag:$0x0] =	sbarrier.arrive $0xFFFF  }
0x3e: {  	s30 =	simm.s32 $0x3;
	[sflag:s2] =	ssyncpa.u1 $0x1  }
0x3f: {  	s31 =	simm.s32 $0x1;
	[sflag:s30] =	ssyncpa.u1 $0x1  }
0x40: {  	[sflag:s31] =	ssyncpa.u1 $0x1  }
0x41: {  	p0 =	sne.s32 s1, $0x0;
	_ =	strace $0x90000047  }
0x42: {  	s0 =	sadd.s32 @!p0 $0x100000, s0;
	[bflag:$0x2] =	sbarrier.arrive $0xFFFF  }
0x43: {  	[sflag:s0] =	ssyncadd.tile.s32 @!p0 $0x1;
	_ =	shalt  }
.Lfunc_end2:
_tile_overlayer_lowered:
.L_overlay_start_2:
0x44: {  	(tag) =	ssettag $0x2  }
0x45: {  	s0 =	rddreg [dreg:$0x0];
	s2 =	stileid.u32  }
0x46: {  	s1 =	rddreg [dreg:$0x1];
	p0 =	sne.s32 s2, $0x0  }
0x47: {  	s3 =	rddreg [dreg:$0x2];
	[bflag:$0x3] =	sbarrier.arrive $0xFFFF;
	s2 =	simm.s32 @!p0 $0x1C01  }
0x48: {  	[timem:s3], [sflag:s2] =	dma.local @!p0 [hbm:s0], s1  }
0x49: {  	s0 =	simm.s32 @!p0 $0x1  }
0x4a: {  	_ =	swait.ge @!p0 [sflag:s0], s1  }
0x4b: {  	s1 =	ssub.s32 @!p0 $0x0, s1;
	[sflag:s0] =	ssyncset.done @!p0 $0x0  }
0x4c: {  	[sflag:s0] =	ssyncadd.s32 @!p0 s1  }
0x4d: {  	[bflag:$0x3] =	sbarrier.arrive $0xFFFF  }
0x4e: {  	_ =	shalt  }

</sc_bundles>
